<compile_context>
chip_gen: v7x
topology: tpu7x:2x2x1
jax: 0.10.2.dev20260603
libtpu: 0.0.44.dev20260713+nightly
codegen_flags: <defaults>
</compile_context>

<pallas_src>
import functools

import jax
import jax.numpy as jnp
from jax import lax
from jax.experimental import pallas as pl
from jax.experimental.pallas import tpu as pltpu
from jax.experimental.pallas import tpu_sc as plsc


@functools.partial(jax.jit, static_argnums=(1,))
def _sc_copy(table, seq_len):
    d_model = table.shape[1]
    mesh = plsc.VectorSubcoreMesh(core_axis_name="c", subcore_axis_name="s")
    n_workers = 32
    rows_per_w = seq_len // n_workers

    chunk = 16
    n_chunks = rows_per_w // chunk

    @functools.partial(
        pl.kernel,
        mesh=mesh,
        out_type=jax.ShapeDtypeStruct((seq_len, d_model), table.dtype),
        scratch_types=[
            pltpu.VMEM((2, chunk, d_model), jnp.float32),
            pltpu.SemaphoreType.DMA((2,)),
            pltpu.SemaphoreType.DMA((2,)),
        ],
    )
    def k(table_hbm, out_hbm, buf, isem, osem):
        wid = lax.axis_index("s") * 2 + lax.axis_index("c")
        base = wid * rows_per_w

        def start_in(i):
            b = i % 2
            return pltpu.async_copy(
                table_hbm.at[pl.ds(base + i * chunk, chunk), :],
                buf.at[b], isem.at[b])

        def start_out(i):
            b = i % 2
            return pltpu.async_copy(
                buf.at[b],
                out_hbm.at[pl.ds(base + i * chunk, chunk), :], osem.at[b])

        ins = [None] * n_chunks
        outs = [None] * n_chunks
        ins[0] = start_in(0)
        for i in range(n_chunks):
            if i >= 1:
                outs[i - 1].wait()
            if i + 1 < n_chunks:
                ins[i + 1] = start_in(i + 1)
            ins[i].wait()
            outs[i] = start_out(i)
        outs[n_chunks - 1].wait()

    return k(table)


def kernel(x, position_embeddings):
    seq_len = x.shape[1]
    out = _sc_copy(position_embeddings, seq_len)
    return out[None, :, :]

# --- scband reference (transcript-rebuilt; emitter-appended) ---
"""Pipeline reference for scband-learnable-positional-embedding-69621419868161 (READ-ONLY COPY).

The authoritative reference and input builder live on the scoring server;
editing this copy changes nothing except your own understanding.
"""

import jax, jax.numpy as jnp
import numpy as np

D_MODEL = 2048
MAX_LEN = 8192
BATCH = 4
SEQ_LEN = 4096

def setup_inputs(seed: int = 0) -> dict:
    key = jax.random.key(seed)
    k1, k2 = jax.random.split(key)
    x = jax.random.normal(k1, (BATCH, SEQ_LEN, D_MODEL), dtype=jnp.float32)
    position_embeddings = jax.random.normal(k2, (MAX_LEN, D_MODEL), dtype=jnp.float32) * 0.02
    return {"x": x, "position_embeddings": position_embeddings}

def reference(x, position_embeddings):
    # position_ids buffer: arange(max_len)[None, :]; sliced to seq_len
    seq_len = x.shape[1]
    position_ids = jnp.arange(seq_len, dtype=jnp.int32)
    # nn.Embedding lookup -> gather rows from the table
    out = jnp.take(position_embeddings, position_ids, axis=0)  # (seq_len, d_model)
    return out[None, :, :]  # (1, seq_len, d_model)

if __name__ == "__main__":
    import jax
    _d = setup_inputs()
    print(jax.jit(kernel)(*tuple(_d.values())))

</pallas_src>

<mosaic_0001>
#map = affine_map<(d0, d1) -> (0, 0)>
module attributes {stable_mosaic.version = 14 : i64} {
  func.func @k(%arg0: i32, %arg1: i32, %arg2: memref<8192x2048xf32, #tpu.memory_space<hbm>>, %arg3: memref<4096x2048xf32, #tpu.memory_space<hbm>>, %arg4: memref<2x16x2048xf32, #tpu.memory_space<vmem>>, %arg5: memref<2x!tpu.dma_semaphore, #tpu.memory_space<semaphore_mem>>, %arg6: memref<2x!tpu.dma_semaphore, #tpu.memory_space<semaphore_mem>>) attributes {dimension_semantics = [#tpu.dimension_semantics<core_parallel>, #tpu.dimension_semantics<subcore_parallel>], iteration_bounds = array<i64: 2, 16>, scalar_prefetch = 0 : i64, scratch_operands = 3 : i64, tpu.core_type = #tpu.core_type<sc_vector_subcore>, window_params = [{transform_indices = #map}, {transform_indices = #map}]} {
    %mul3A = arith.constant 2 : i32
    %mul3A_0 = arith.muli %arg1, %mul3A : i32
    %add3A = arith.addi %mul3A_0, %arg0 : i32
    %mul3A_1 = arith.constant 128 : i32
    %mul3A_2 = arith.muli %add3A, %mul3A_1 : i32
    %add3A_3 = arith.constant 0 : i32
    %add3A_4 = arith.addi %mul3A_2, %add3A_3 : i32
    %dma_start3A = arith.constant 0 : i32
    %dma_start3A_5 = arith.constant 0 : i32
    %dma_start3A_6 = arith.constant 0 : i32
    %dma_start3A_7 = arith.constant 0 : i32
    %dma_start3A_8 = tpu.memref_slice %arg4[%dma_start3A, %dma_start3A_6, %dma_start3A_7] : memref<2x16x2048xf32, #tpu.memory_space<vmem>> -> memref<1x16x2048xf32, #tpu.memory_space<vmem>>
    %dma_start3A_9 = tpu.memref_squeeze %dma_start3A_8 : memref<1x16x2048xf32, #tpu.memory_space<vmem>> -> memref<16x2048xf32, #tpu.memory_space<vmem>>
    %dma_start3A_10 = arith.constant 0 : i32
    %dma_start3A_11 = tpu.memref_slice %arg2[%add3A_4, %dma_start3A_10] : memref<8192x2048xf32, #tpu.memory_space<hbm>> -> memref<16x2048xf32, #tpu.memory_space<hbm>>
    %dma_start3A_12 = tpu.memref_slice %arg5[%dma_start3A_5] : memref<2x!tpu.dma_semaphore, #tpu.memory_space<semaphore_mem>> -> memref<1x!tpu.dma_semaphore, #tpu.memory_space<semaphore_mem>>
    %dma_start3A_13 = tpu.memref_squeeze %dma_start3A_12 : memref<1x!tpu.dma_semaphore, #tpu.memory_space<semaphore_mem>> -> memref<!tpu.dma_semaphore, #tpu.memory_space<semaphore_mem>>
    %dma_start3A_14 = arith.constant 0 : i32
    %dma_start3A_15 = arith.constant 0 : i32
    %dma_start3A_16 = tpu.memref_slice %arg4[%dma_start3A, %dma_start3A_14, %dma_start3A_15] : memref<2x16x2048xf32, #tpu.memory_space<vmem>> -> memref<1x16x2048xf32, #tpu.memory_space<vmem>>
    %dma_start3A_17 = tpu.memref_squeeze %dma_start3A_16 : memref<1x16x2048xf32, #tpu.memory_space<vmem>> -> memref<16x2048xf32, #tpu.memory_space<vmem>>
    %dma_start3A_18 = arith.constant 0 : i32
    %dma_start3A_19 = tpu.memref_slice %arg2[%add3A_4, %dma_start3A_18] : memref<8192x2048xf32, #tpu.memory_space<hbm>> -> memref<16x2048xf32, #tpu.memory_space<hbm>>
    tpu.enqueue_dma source(%dma_start3A_19 : memref<16x2048xf32, #tpu.memory_space<hbm>>) target(%dma_start3A_17 : memref<16x2048xf32, #tpu.memory_space<vmem>>) target_semaphore(%dma_start3A_13 : memref<!tpu.dma_semaphore, #tpu.memory_space<semaphore_mem>>)
    %add3A_20 = arith.constant 16 : i32
    %add3A_21 = arith.addi %mul3A_2, %add3A_20 : i32
    %dma_start3A_22 = arith.constant 1 : i32
    %dma_start3A_23 = arith.constant 1 : i32
    %dma_start3A_24 = arith.constant 0 : i32
    %dma_start3A_25 = arith.constant 0 : i32
    %dma_start3A_26 = tpu.memref_slice %arg4[%dma_start3A_22, %dma_start3A_24, %dma_start3A_25] : memref<2x16x2048xf32, #tpu.memory_space<vmem>> -> memref<1x16x2048xf32, #tpu.memory_space<vmem>>
    %dma_start3A_27 = tpu.memref_squeeze %dma_start3A_26 : memref<1x16x2048xf32, #tpu.memory_space<vmem>> -> memref<16x2048xf32, #tpu.memory_space<vmem>>
    %dma_start3A_28 = arith.constant 0 : i32
    %dma_start3A_29 = tpu.memref_slice %arg2[%add3A_21, %dma_start3A_28] : memref<8192x2048xf32, #tpu.memory_space<hbm>> -> memref<16x2048xf32, #tpu.memory_space<hbm>>
    %dma_start3A_30 = tpu.memref_slice %arg5[%dma_start3A_23] : memref<2x!tpu.dma_semaphore, #tpu.memory_space<semaphore_mem>> -> memref<1x!tpu.dma_semaphore, #tpu.memory_space<semaphore_mem>>
    %dma_start3A_31 = tpu.memref_squeeze %dma_start3A_30 : memref<1x!tpu.dma_semaphore, #tpu.memory_space<semaphore_mem>> -> memref<!tpu.dma_semaphore, #tpu.memory_space<semaphore_mem>>
    %dma_start3A_32 = arith.constant 0 : i32
    %dma_start3A_33 = arith.constant 0 : i32
    %dma_start3A_34 = tpu.memref_slice %arg4[%dma_start3A_22, %dma_start3A_32, %dma_start3A_33] : memref<2x16x2048xf32, #tpu.memory_space<vmem>> -> memref<1x16x2048xf32, #tpu.memory_space<vmem>>
    %dma_start3A_35 = tpu.memref_squeeze %dma_start3A_34 : memref<1x16x2048xf32, #tpu.memory_space<vmem>> -> memref<16x2048xf32, #tpu.memory_space<vmem>>
    %dma_start3A_36 = arith.constant 0 : i32
    %dma_start3A_37 = tpu.memref_slice %arg2[%add3A_21, %dma_start3A_36] : memref<8192x2048xf32, #tpu.memory_space<hbm>> -> memref<16x2048xf32, #tpu.memory_space<hbm>>
    tpu.enqueue_dma source(%dma_start3A_37 : memref<16x2048xf32, #tpu.memory_space<hbm>>) target(%dma_start3A_35 : memref<16x2048xf32, #tpu.memory_space<vmem>>) target_semaphore(%dma_start3A_31 : memref<!tpu.dma_semaphore, #tpu.memory_space<semaphore_mem>>)
    %dma_wait3A = arith.constant 0 : i32
    %dma_wait3A_38 = arith.constant 0 : i32
    %dma_wait3A_39 = arith.constant 0 : i32
    %dma_wait3A_40 = arith.constant 0 : i32
    %dma_wait3A_41 = tpu.memref_slice %arg4[%dma_wait3A, %dma_wait3A_39, %dma_wait3A_40] : memref<2x16x2048xf32, #tpu.memory_space<vmem>> -> memref<1x16x2048xf32, #tpu.memory_space<vmem>>
    %dma_wait3A_42 = tpu.memref_squeeze %dma_wait3A_41 : memref<1x16x2048xf32, #tpu.memory_space<vmem>> -> memref<16x2048xf32, #tpu.memory_space<vmem>>
    %dma_wait3A_43 = arith.constant 0 : i32
    %dma_wait3A_44 = tpu.memref_slice %arg2[%add3A_4, %dma_wait3A_43] : memref<8192x2048xf32, #tpu.memory_space<hbm>> -> memref<16x2048xf32, #tpu.memory_space<hbm>>
    %dma_wait3A_45 = tpu.memref_slice %arg5[%dma_wait3A_38] : memref<2x!tpu.dma_semaphore, #tpu.memory_space<semaphore_mem>> -> memref<1x!tpu.dma_semaphore, #tpu.memory_space<semaphore_mem>>
    %dma_wait3A_46 = tpu.memref_squeeze %dma_wait3A_45 : memref<1x!tpu.dma_semaphore, #tpu.memory_space<semaphore_mem>> -> memref<!tpu.dma_semaphore, #tpu.memory_space<semaphore_mem>>
    %dma_wait3A_47 = arith.constant 0 : i32
    %dma_wait3A_48 = arith.constant 0 : i32
    %dma_wait3A_49 = tpu.memref_slice %arg4[%dma_wait3A, %dma_wait3A_47, %dma_wait3A_48] : memref<2x16x2048xf32, #tpu.memory_space<vmem>> -> memref<1x16x2048xf32, #tpu.memory_space<vmem>>
    %dma_wait3A_50 = tpu.memref_squeeze %dma_wait3A_49 : memref<1x16x2048xf32, #tpu.memory_space<vmem>> -> memref<16x2048xf32, #tpu.memory_space<vmem>>
    %dma_wait3A_51 = arith.constant 0 : i32
    %dma_wait3A_52 = tpu.memref_slice %arg2[%add3A_4, %dma_wait3A_51] : memref<8192x2048xf32, #tpu.memory_space<hbm>> -> memref<16x2048xf32, #tpu.memory_space<hbm>>
    tpu.wait_dma2 semaphore(%dma_wait3A_46 : memref<!tpu.dma_semaphore, #tpu.memory_space<semaphore_mem>>) src(%dma_wait3A_52 : memref<16x2048xf32, #tpu.memory_space<hbm>>) dst(%dma_wait3A_50 : memref<16x2048xf32, #tpu.memory_space<vmem>>)
    %add3A_53 = arith.constant 0 : i32
    %add3A_54 = arith.addi %mul3A_2, %add3A_53 : i32
    %dma_start3A_55 = arith.constant 0 : i32
    %dma_start3A_56 = arith.constant 0 : i32
    %dma_start3A_57 = arith.constant 0 : i32
    %dma_start3A_58 = arith.constant 0 : i32
    %dma_start3A_59 = tpu.memref_slice %arg4[%dma_start3A_55, %dma_start3A_57, %dma_start3A_58] : memref<2x16x2048xf32, #tpu.memory_space<vmem>> -> memref<1x16x2048xf32, #tpu.memory_space<vmem>>
    %dma_start3A_60 = tpu.memref_squeeze %dma_start3A_59 : memref<1x16x2048xf32, #tpu.memory_space<vmem>> -> memref<16x2048xf32, #tpu.memory_space<vmem>>
    %dma_start3A_61 = arith.constant 0 : i32
    %dma_start3A_62 = tpu.memref_slice %arg3[%add3A_54, %dma_start3A_61] : memref<4096x2048xf32, #tpu.memory_space<hbm>> -> memref<16x2048xf32, #tpu.memory_space<hbm>>
    %dma_start3A_63 = tpu.memref_slice %arg6[%dma_start3A_56] : memref<2x!tpu.dma_semaphore, #tpu.memory_space<semaphore_mem>> -> memref<1x!tpu.dma_semaphore, #tpu.memory_space<semaphore_mem>>
    %dma_start3A_64 = tpu.memref_squeeze %dma_start3A_63 : memref<1x!tpu.dma_semaphore, #tpu.memory_space<semaphore_mem>> -> memref<!tpu.dma_semaphore, #tpu.memory_space<semaphore_mem>>
    %dma_start3A_65 = arith.constant 0 : i32
    %dma_start3A_66 = tpu.memref_slice %arg3[%add3A_54, %dma_start3A_65] : memref<4096x2048xf32, #tpu.memory_space<hbm>> -> memref<16x2048xf32, #tpu.memory_space<hbm>>
    %dma_start3A_67 = arith.constant 0 : i32
    %dma_start3A_68 = arith.constant 0 : i32
    %dma_start3A_69 = tpu.memref_slice %arg4[%dma_start3A_55, %dma_start3A_67, %dma_start3A_68] : memref<2x16x2048xf32, #tpu.memory_space<vmem>> -> memref<1x16x2048xf32, #tpu.memory_space<vmem>>
    %dma_start3A_70 = tpu.memref_squeeze %dma_start3A_69 : memref<1x16x2048xf32, #tpu.memory_space<vmem>> -> memref<16x2048xf32, #tpu.memory_space<vmem>>
    tpu.enqueue_dma source(%dma_start3A_70 : memref<16x2048xf32, #tpu.memory_space<vmem>>) target(%dma_start3A_66 : memref<16x2048xf32, #tpu.memory_space<hbm>>) target_semaphore(%dma_start3A_64 : memref<!tpu.dma_semaphore, #tpu.memory_space<semaphore_mem>>)
    %dma_wait3A_71 = arith.constant 0 : i32
    %dma_wait3A_72 = arith.constant 0 : i32
    %dma_wait3A_73 = arith.constant 0 : i32
    %dma_wait3A_74 = arith.constant 0 : i32
    %dma_wait3A_75 = tpu.memref_slice %arg4[%dma_wait3A_71, %dma_wait3A_73, %dma_wait3A_74] : memref<2x16x2048xf32, #tpu.memory_space<vmem>> -> memref<1x16x2048xf32, #tpu.memory_space<vmem>>
    %dma_wait3A_76 = tpu.memref_squeeze %dma_wait3A_75 : memref<1x16x2048xf32, #tpu.memory_space<vmem>> -> memref<16x2048xf32, #tpu.memory_space<vmem>>
    %dma_wait3A_77 = arith.constant 0 : i32
    %dma_wait3A_78 = tpu.memref_slice %arg3[%add3A_54, %dma_wait3A_77] : memref<4096x2048xf32, #tpu.memory_space<hbm>> -> memref<16x2048xf32, #tpu.memory_space<hbm>>
    %dma_wait3A_79 = tpu.memref_slice %arg6[%dma_wait3A_72] : memref<2x!tpu.dma_semaphore, #tpu.memory_space<semaphore_mem>> -> memref<1x!tpu.dma_semaphore, #tpu.memory_space<semaphore_mem>>
    %dma_wait3A_80 = tpu.memref_squeeze %dma_wait3A_79 : memref<1x!tpu.dma_semaphore, #tpu.memory_space<semaphore_mem>> -> memref<!tpu.dma_semaphore, #tpu.memory_space<semaphore_mem>>
    %dma_wait3A_81 = arith.constant 0 : i32
    %dma_wait3A_82 = tpu.memref_slice %arg3[%add3A_54, %dma_wait3A_81] : memref<4096x2048xf32, #tpu.memory_space<hbm>> -> memref<16x2048xf32, #tpu.memory_space<hbm>>
    %dma_wait3A_83 = arith.constant 0 : i32
    %dma_wait3A_84 = arith.constant 0 : i32
    %dma_wait3A_85 = tpu.memref_slice %arg4[%dma_wait3A_71, %dma_wait3A_83, %dma_wait3A_84] : memref<2x16x2048xf32, #tpu.memory_space<vmem>> -> memref<1x16x2048xf32, #tpu.memory_space<vmem>>
    %dma_wait3A_86 = tpu.memref_squeeze %dma_wait3A_85 : memref<1x16x2048xf32, #tpu.memory_space<vmem>> -> memref<16x2048xf32, #tpu.memory_space<vmem>>
    tpu.wait_dma2 semaphore(%dma_wait3A_80 : memref<!tpu.dma_semaphore, #tpu.memory_space<semaphore_mem>>) src(%dma_wait3A_86 : memref<16x2048xf32, #tpu.memory_space<vmem>>) dst(%dma_wait3A_82 : memref<16x2048xf32, #tpu.memory_space<hbm>>)
    %add3A_87 = arith.constant 32 : i32
    %add3A_88 = arith.addi %mul3A_2, %add3A_87 : i32
    %dma_start3A_89 = arith.constant 0 : i32
    %dma_start3A_90 = arith.constant 0 : i32
    %dma_start3A_91 = arith.constant 0 : i32
    %dma_start3A_92 = arith.constant 0 : i32
    %dma_start3A_93 = tpu.memref_slice %arg4[%dma_start3A_89, %dma_start3A_91, %dma_start3A_92] : memref<2x16x2048xf32, #tpu.memory_space<vmem>> -> memref<1x16x2048xf32, #tpu.memory_space<vmem>>
    %dma_start3A_94 = tpu.memref_squeeze %dma_start3A_93 : memref<1x16x2048xf32, #tpu.memory_space<vmem>> -> memref<16x2048xf32, #tpu.memory_space<vmem>>
    %dma_start3A_95 = arith.constant 0 : i32
    %dma_start3A_96 = tpu.memref_slice %arg2[%add3A_88, %dma_start3A_95] : memref<8192x2048xf32, #tpu.memory_space<hbm>> -> memref<16x2048xf32, #tpu.memory_space<hbm>>
    %dma_start3A_97 = tpu.memref_slice %arg5[%dma_start3A_90] : memref<2x!tpu.dma_semaphore, #tpu.memory_space<semaphore_mem>> -> memref<1x!tpu.dma_semaphore, #tpu.memory_space<semaphore_mem>>
    %dma_start3A_98 = tpu.memref_squeeze %dma_start3A_97 : memref<1x!tpu.dma_semaphore, #tpu.memory_space<semaphore_mem>> -> memref<!tpu.dma_semaphore, #tpu.memory_space<semaphore_mem>>
    %dma_start3A_99 = arith.constant 0 : i32
    %dma_start3A_100 = arith.constant 0 : i32
    %dma_start3A_101 = tpu.memref_slice %arg4[%dma_start3A_89, %dma_start3A_99, %dma_start3A_100] : memref<2x16x2048xf32, #tpu.memory_space<vmem>> -> memref<1x16x2048xf32, #tpu.memory_space<vmem>>
    %dma_start3A_102 = tpu.memref_squeeze %dma_start3A_101 : memref<1x16x2048xf32, #tpu.memory_space<vmem>> -> memref<16x2048xf32, #tpu.memory_space<vmem>>
    %dma_start3A_103 = arith.constant 0 : i32
    %dma_start3A_104 = tpu.memref_slice %arg2[%add3A_88, %dma_start3A_103] : memref<8192x2048xf32, #tpu.memory_space<hbm>> -> memref<16x2048xf32, #tpu.memory_space<hbm>>
    tpu.enqueue_dma source(%dma_start3A_104 : memref<16x2048xf32, #tpu.memory_space<hbm>>) target(%dma_start3A_102 : memref<16x2048xf32, #tpu.memory_space<vmem>>) target_semaphore(%dma_start3A_98 : memref<!tpu.dma_semaphore, #tpu.memory_space<semaphore_mem>>)
    %dma_wait3A_105 = arith.constant 1 : i32
    %dma_wait3A_106 = arith.constant 1 : i32
    %dma_wait3A_107 = arith.constant 0 : i32
    %dma_wait3A_108 = arith.constant 0 : i32
    %dma_wait3A_109 = tpu.memref_slice %arg4[%dma_wait3A_105, %dma_wait3A_107, %dma_wait3A_108] : memref<2x16x2048xf32, #tpu.memory_space<vmem>> -> memref<1x16x2048xf32, #tpu.memory_space<vmem>>
    %dma_wait3A_110 = tpu.memref_squeeze %dma_wait3A_109 : memref<1x16x2048xf32, #tpu.memory_space<vmem>> -> memref<16x2048xf32, #tpu.memory_space<vmem>>
    %dma_wait3A_111 = arith.constant 0 : i32
    %dma_wait3A_112 = tpu.memref_slice %arg2[%add3A_21, %dma_wait3A_111] : memref<8192x2048xf32, #tpu.memory_space<hbm>> -> memref<16x2048xf32, #tpu.memory_space<hbm>>
    %dma_wait3A_113 = tpu.memref_slice %arg5[%dma_wait3A_106] : memref<2x!tpu.dma_semaphore, #tpu.memory_space<semaphore_mem>> -> memref<1x!tpu.dma_semaphore, #tpu.memory_space<semaphore_mem>>
    %dma_wait3A_114 = tpu.memref_squeeze %dma_wait3A_113 : memref<1x!tpu.dma_semaphore, #tpu.memory_space<semaphore_mem>> -> memref<!tpu.dma_semaphore, #tpu.memory_space<semaphore_mem>>
    %dma_wait3A_115 = arith.constant 0 : i32
    %dma_wait3A_116 = arith.constant 0 : i32
    %dma_wait3A_117 = tpu.memref_slice %arg4[%dma_wait3A_105, %dma_wait3A_115, %dma_wait3A_116] : memref<2x16x2048xf32, #tpu.memory_space<vmem>> -> memref<1x16x2048xf32, #tpu.memory_space<vmem>>
    %dma_wait3A_118 = tpu.memref_squeeze %dma_wait3A_117 : memref<1x16x2048xf32, #tpu.memory_space<vmem>> -> memref<16x2048xf32, #tpu.memory_space<vmem>>
    %dma_wait3A_119 = arith.constant 0 : i32
    %dma_wait3A_120 = tpu.memref_slice %arg2[%add3A_21, %dma_wait3A_119] : memref<8192x2048xf32, #tpu.memory_space<hbm>> -> memref<16x2048xf32, #tpu.memory_space<hbm>>
    tpu.wait_dma2 semaphore(%dma_wait3A_114 : memref<!tpu.dma_semaphore, #tpu.memory_space<semaphore_mem>>) src(%dma_wait3A_120 : memref<16x2048xf32, #tpu.memory_space<hbm>>) dst(%dma_wait3A_118 : memref<16x2048xf32, #tpu.memory_space<vmem>>)
    %add3A_121 = arith.constant 16 : i32
    %add3A_122 = arith.addi %mul3A_2, %add3A_121 : i32
    %dma_start3A_123 = arith.constant 1 : i32
    %dma_start3A_124 = arith.constant 1 : i32
    %dma_start3A_125 = arith.constant 0 : i32
    %dma_start3A_126 = arith.constant 0 : i32
    %dma_start3A_127 = tpu.memref_slice %arg4[%dma_start3A_123, %dma_start3A_125, %dma_start3A_126] : memref<2x16x2048xf32, #tpu.memory_space<vmem>> -> memref<1x16x2048xf32, #tpu.memory_space<vmem>>
    %dma_start3A_128 = tpu.memref_squeeze %dma_start3A_127 : memref<1x16x2048xf32, #tpu.memory_space<vmem>> -> memref<16x2048xf32, #tpu.memory_space<vmem>>
    %dma_start3A_129 = arith.constant 0 : i32
    %dma_start3A_130 = tpu.memref_slice %arg3[%add3A_122, %dma_start3A_129] : memref<4096x2048xf32, #tpu.memory_space<hbm>> -> memref<16x2048xf32, #tpu.memory_space<hbm>>
    %dma_start3A_131 = tpu.memref_slice %arg6[%dma_start3A_124] : memref<2x!tpu.dma_semaphore, #tpu.memory_space<semaphore_mem>> -> memref<1x!tpu.dma_semaphore, #tpu.memory_space<semaphore_mem>>
    %dma_start3A_132 = tpu.memref_squeeze %dma_start3A_131 : memref<1x!tpu.dma_semaphore, #tpu.memory_space<semaphore_mem>> -> memref<!tpu.dma_semaphore, #tpu.memory_space<semaphore_mem>>
    %dma_start3A_133 = arith.constant 0 : i32
    %dma_start3A_134 = tpu.memref_slice %arg3[%add3A_122, %dma_start3A_133] : memref<4096x2048xf32, #tpu.memory_space<hbm>> -> memref<16x2048xf32, #tpu.memory_space<hbm>>
    %dma_start3A_135 = arith.constant 0 : i32
    %dma_start3A_136 = arith.constant 0 : i32
    %dma_start3A_137 = tpu.memref_slice %arg4[%dma_start3A_123, %dma_start3A_135, %dma_start3A_136] : memref<2x16x2048xf32, #tpu.memory_space<vmem>> -> memref<1x16x2048xf32, #tpu.memory_space<vmem>>
    %dma_start3A_138 = tpu.memref_squeeze %dma_start3A_137 : memref<1x16x2048xf32, #tpu.memory_space<vmem>> -> memref<16x2048xf32, #tpu.memory_space<vmem>>
    tpu.enqueue_dma source(%dma_start3A_138 : memref<16x2048xf32, #tpu.memory_space<vmem>>) target(%dma_start3A_134 : memref<16x2048xf32, #tpu.memory_space<hbm>>) target_semaphore(%dma_start3A_132 : memref<!tpu.dma_semaphore, #tpu.memory_space<semaphore_mem>>)
    %dma_wait3A_139 = arith.constant 1 : i32
    %dma_wait3A_140 = arith.constant 1 : i32
    %dma_wait3A_141 = arith.constant 0 : i32
    %dma_wait3A_142 = arith.constant 0 : i32
    %dma_wait3A_143 = tpu.memref_slice %arg4[%dma_wait3A_139, %dma_wait3A_141, %dma_wait3A_142] : memref<2x16x2048xf32, #tpu.memory_space<vmem>> -> memref<1x16x2048xf32, #tpu.memory_space<vmem>>
    %dma_wait3A_144 = tpu.memref_squeeze %dma_wait3A_143 : memref<1x16x2048xf32, #tpu.memory_space<vmem>> -> memref<16x2048xf32, #tpu.memory_space<vmem>>
    %dma_wait3A_145 = arith.constant 0 : i32
    %dma_wait3A_146 = tpu.memref_slice %arg3[%add3A_122, %dma_wait3A_145] : memref<4096x2048xf32, #tpu.memory_space<hbm>> -> memref<16x2048xf32, #tpu.memory_space<hbm>>
    %dma_wait3A_147 = tpu.memref_slice %arg6[%dma_wait3A_140] : memref<2x!tpu.dma_semaphore, #tpu.memory_space<semaphore_mem>> -> memref<1x!tpu.dma_semaphore, #tpu.memory_space<semaphore_mem>>
    %dma_wait3A_148 = tpu.memref_squeeze %dma_wait3A_147 : memref<1x!tpu.dma_semaphore, #tpu.memory_space<semaphore_mem>> -> memref<!tpu.dma_semaphore, #tpu.memory_space<semaphore_mem>>
    %dma_wait3A_149 = arith.constant 0 : i32
    %dma_wait3A_150 = tpu.memref_slice %arg3[%add3A_122, %dma_wait3A_149] : memref<4096x2048xf32, #tpu.memory_space<hbm>> -> memref<16x2048xf32, #tpu.memory_space<hbm>>
    %dma_wait3A_151 = arith.constant 0 : i32
    %dma_wait3A_152 = arith.constant 0 : i32
    %dma_wait3A_153 = tpu.memref_slice %arg4[%dma_wait3A_139, %dma_wait3A_151, %dma_wait3A_152] : memref<2x16x2048xf32, #tpu.memory_space<vmem>> -> memref<1x16x2048xf32, #tpu.memory_space<vmem>>
    %dma_wait3A_154 = tpu.memref_squeeze %dma_wait3A_153 : memref<1x16x2048xf32, #tpu.memory_space<vmem>> -> memref<16x2048xf32, #tpu.memory_space<vmem>>
    tpu.wait_dma2 semaphore(%dma_wait3A_148 : memref<!tpu.dma_semaphore, #tpu.memory_space<semaphore_mem>>) src(%dma_wait3A_154 : memref<16x2048xf32, #tpu.memory_space<vmem>>) dst(%dma_wait3A_150 : memref<16x2048xf32, #tpu.memory_space<hbm>>)
    %add3A_155 = arith.constant 48 : i32
    %add3A_156 = arith.addi %mul3A_2, %add3A_155 : i32
    %dma_start3A_157 = arith.constant 1 : i32
    %dma_start3A_158 = arith.constant 1 : i32
    %dma_start3A_159 = arith.constant 0 : i32
    %dma_start3A_160 = arith.constant 0 : i32
    %dma_start3A_161 = tpu.memref_slice %arg4[%dma_start3A_157, %dma_start3A_159, %dma_start3A_160] : memref<2x16x2048xf32, #tpu.memory_space<vmem>> -> memref<1x16x2048xf32, #tpu.memory_space<vmem>>
    %dma_start3A_162 = tpu.memref_squeeze %dma_start3A_161 : memref<1x16x2048xf32, #tpu.memory_space<vmem>> -> memref<16x2048xf32, #tpu.memory_space<vmem>>
    %dma_start3A_163 = arith.constant 0 : i32
    %dma_start3A_164 = tpu.memref_slice %arg2[%add3A_156, %dma_start3A_163] : memref<8192x2048xf32, #tpu.memory_space<hbm>> -> memref<16x2048xf32, #tpu.memory_space<hbm>>
    %dma_start3A_165 = tpu.memref_slice %arg5[%dma_start3A_158] : memref<2x!tpu.dma_semaphore, #tpu.memory_space<semaphore_mem>> -> memref<1x!tpu.dma_semaphore, #tpu.memory_space<semaphore_mem>>
    %dma_start3A_166 = tpu.memref_squeeze %dma_start3A_165 : memref<1x!tpu.dma_semaphore, #tpu.memory_space<semaphore_mem>> -> memref<!tpu.dma_semaphore, #tpu.memory_space<semaphore_mem>>
    %dma_start3A_167 = arith.constant 0 : i32
    %dma_start3A_168 = arith.constant 0 : i32
    %dma_start3A_169 = tpu.memref_slice %arg4[%dma_start3A_157, %dma_start3A_167, %dma_start3A_168] : memref<2x16x2048xf32, #tpu.memory_space<vmem>> -> memref<1x16x2048xf32, #tpu.memory_space<vmem>>
    %dma_start3A_170 = tpu.memref_squeeze %dma_start3A_169 : memref<1x16x2048xf32, #tpu.memory_space<vmem>> -> memref<16x2048xf32, #tpu.memory_space<vmem>>
    %dma_start3A_171 = arith.constant 0 : i32
    %dma_start3A_172 = tpu.memref_slice %arg2[%add3A_156, %dma_start3A_171] : memref<8192x2048xf32, #tpu.memory_space<hbm>> -> memref<16x2048xf32, #tpu.memory_space<hbm>>
    tpu.enqueue_dma source(%dma_start3A_172 : memref<16x2048xf32, #tpu.memory_space<hbm>>) target(%dma_start3A_170 : memref<16x2048xf32, #tpu.memory_space<vmem>>) target_semaphore(%dma_start3A_166 : memref<!tpu.dma_semaphore, #tpu.memory_space<semaphore_mem>>)
    %dma_wait3A_173 = arith.constant 0 : i32
    %dma_wait3A_174 = arith.constant 0 : i32
    %dma_wait3A_175 = arith.constant 0 : i32
    %dma_wait3A_176 = arith.constant 0 : i32
    %dma_wait3A_177 = tpu.memref_slice %arg4[%dma_wait3A_173, %dma_wait3A_175, %dma_wait3A_176] : memref<2x16x2048xf32, #tpu.memory_space<vmem>> -> memref<1x16x2048xf32, #tpu.memory_space<vmem>>
    %dma_wait3A_178 = tpu.memref_squeeze %dma_wait3A_177 : memref<1x16x2048xf32, #tpu.memory_space<vmem>> -> memref<16x2048xf32, #tpu.memory_space<vmem>>
    %dma_wait3A_179 = arith.constant 0 : i32
    %dma_wait3A_180 = tpu.memref_slice %arg2[%add3A_88, %dma_wait3A_179] : memref<8192x2048xf32, #tpu.memory_space<hbm>> -> memref<16x2048xf32, #tpu.memory_space<hbm>>
    %dma_wait3A_181 = tpu.memref_slice %arg5[%dma_wait3A_174] : memref<2x!tpu.dma_semaphore, #tpu.memory_space<semaphore_mem>> -> memref<1x!tpu.dma_semaphore, #tpu.memory_space<semaphore_mem>>
    %dma_wait3A_182 = tpu.memref_squeeze %dma_wait3A_181 : memref<1x!tpu.dma_semaphore, #tpu.memory_space<semaphore_mem>> -> memref<!tpu.dma_semaphore, #tpu.memory_space<semaphore_mem>>
    %dma_wait3A_183 = arith.constant 0 : i32
    %dma_wait3A_184 = arith.constant 0 : i32
    %dma_wait3A_185 = tpu.memref_slice %arg4[%dma_wait3A_173, %dma_wait3A_183, %dma_wait3A_184] : memref<2x16x2048xf32, #tpu.memory_space<vmem>> -> memref<1x16x2048xf32, #tpu.memory_space<vmem>>
    %dma_wait3A_186 = tpu.memref_squeeze %dma_wait3A_185 : memref<1x16x2048xf32, #tpu.memory_space<vmem>> -> memref<16x2048xf32, #tpu.memory_space<vmem>>
    %dma_wait3A_187 = arith.constant 0 : i32
    %dma_wait3A_188 = tpu.memref_slice %arg2[%add3A_88, %dma_wait3A_187] : memref<8192x2048xf32, #tpu.memory_space<hbm>> -> memref<16x2048xf32, #tpu.memory_space<hbm>>
    tpu.wait_dma2 semaphore(%dma_wait3A_182 : memref<!tpu.dma_semaphore, #tpu.memory_space<semaphore_mem>>) src(%dma_wait3A_188 : memref<16x2048xf32, #tpu.memory_space<hbm>>) dst(%dma_wait3A_186 : memref<16x2048xf32, #tpu.memory_space<vmem>>)
    %add3A_189 = arith.constant 32 : i32
    %add3A_190 = arith.addi %mul3A_2, %add3A_189 : i32
    %dma_start3A_191 = arith.constant 0 : i32
    %dma_start3A_192 = arith.constant 0 : i32
    %dma_start3A_193 = arith.constant 0 : i32
    %dma_start3A_194 = arith.constant 0 : i32
    %dma_start3A_195 = tpu.memref_slice %arg4[%dma_start3A_191, %dma_start3A_193, %dma_start3A_194] : memref<2x16x2048xf32, #tpu.memory_space<vmem>> -> memref<1x16x2048xf32, #tpu.memory_space<vmem>>
    %dma_start3A_196 = tpu.memref_squeeze %dma_start3A_195 : memref<1x16x2048xf32, #tpu.memory_space<vmem>> -> memref<16x2048xf32, #tpu.memory_space<vmem>>
    %dma_start3A_197 = arith.constant 0 : i32
    %dma_start3A_198 = tpu.memref_slice %arg3[%add3A_190, %dma_start3A_197] : memref<4096x2048xf32, #tpu.memory_space<hbm>> -> memref<16x2048xf32, #tpu.memory_space<hbm>>
    %dma_start3A_199 = tpu.memref_slice %arg6[%dma_start3A_192] : memref<2x!tpu.dma_semaphore, #tpu.memory_space<semaphore_mem>> -> memref<1x!tpu.dma_semaphore, #tpu.memory_space<semaphore_mem>>
    %dma_start3A_200 = tpu.memref_squeeze %dma_start3A_199 : memref<1x!tpu.dma_semaphore, #tpu.memory_space<semaphore_mem>> -> memref<!tpu.dma_semaphore, #tpu.memory_space<semaphore_mem>>
    %dma_start3A_201 = arith.constant 0 : i32
    %dma_start3A_202 = tpu.memref_slice %arg3[%add3A_190, %dma_start3A_201] : memref<4096x2048xf32, #tpu.memory_space<hbm>> -> memref<16x2048xf32, #tpu.memory_space<hbm>>
    %dma_start3A_203 = arith.constant 0 : i32
    %dma_start3A_204 = arith.constant 0 : i32
    %dma_start3A_205 = tpu.memref_slice %arg4[%dma_start3A_191, %dma_start3A_203, %dma_start3A_204] : memref<2x16x2048xf32, #tpu.memory_space<vmem>> -> memref<1x16x2048xf32, #tpu.memory_space<vmem>>
    %dma_start3A_206 = tpu.memref_squeeze %dma_start3A_205 : memref<1x16x2048xf32, #tpu.memory_space<vmem>> -> memref<16x2048xf32, #tpu.memory_space<vmem>>
    tpu.enqueue_dma source(%dma_start3A_206 : memref<16x2048xf32, #tpu.memory_space<vmem>>) target(%dma_start3A_202 : memref<16x2048xf32, #tpu.memory_space<hbm>>) target_semaphore(%dma_start3A_200 : memref<!tpu.dma_semaphore, #tpu.memory_space<semaphore_mem>>)
    %dma_wait3A_207 = arith.constant 0 : i32
    %dma_wait3A_208 = arith.constant 0 : i32
    %dma_wait3A_209 = arith.constant 0 : i32
    %dma_wait3A_210 = arith.constant 0 : i32
    %dma_wait3A_211 = tpu.memref_slice %arg4[%dma_wait3A_207, %dma_wait3A_209, %dma_wait3A_210] : memref<2x16x2048xf32, #tpu.memory_space<vmem>> -> memref<1x16x2048xf32, #tpu.memory_space<vmem>>
    %dma_wait3A_212 = tpu.memref_squeeze %dma_wait3A_211 : memref<1x16x2048xf32, #tpu.memory_space<vmem>> -> memref<16x2048xf32, #tpu.memory_space<vmem>>
    %dma_wait3A_213 = arith.constant 0 : i32
    %dma_wait3A_214 = tpu.memref_slice %arg3[%add3A_190, %dma_wait3A_213] : memref<4096x2048xf32, #tpu.memory_space<hbm>> -> memref<16x2048xf32, #tpu.memory_space<hbm>>
    %dma_wait3A_215 = tpu.memref_slice %arg6[%dma_wait3A_208] : memref<2x!tpu.dma_semaphore, #tpu.memory_space<semaphore_mem>> -> memref<1x!tpu.dma_semaphore, #tpu.memory_space<semaphore_mem>>
    %dma_wait3A_216 = tpu.memref_squeeze %dma_wait3A_215 : memref<1x!tpu.dma_semaphore, #tpu.memory_space<semaphore_mem>> -> memref<!tpu.dma_semaphore, #tpu.memory_space<semaphore_mem>>
    %dma_wait3A_217 = arith.constant 0 : i32
    %dma_wait3A_218 = tpu.memref_slice %arg3[%add3A_190, %dma_wait3A_217] : memref<4096x2048xf32, #tpu.memory_space<hbm>> -> memref<16x2048xf32, #tpu.memory_space<hbm>>
    %dma_wait3A_219 = arith.constant 0 : i32
    %dma_wait3A_220 = arith.constant 0 : i32
    %dma_wait3A_221 = tpu.memref_slice %arg4[%dma_wait3A_207, %dma_wait3A_219, %dma_wait3A_220] : memref<2x16x2048xf32, #tpu.memory_space<vmem>> -> memref<1x16x2048xf32, #tpu.memory_space<vmem>>
    %dma_wait3A_222 = tpu.memref_squeeze %dma_wait3A_221 : memref<1x16x2048xf32, #tpu.memory_space<vmem>> -> memref<16x2048xf32, #tpu.memory_space<vmem>>
    tpu.wait_dma2 semaphore(%dma_wait3A_216 : memref<!tpu.dma_semaphore, #tpu.memory_space<semaphore_mem>>) src(%dma_wait3A_222 : memref<16x2048xf32, #tpu.memory_space<vmem>>) dst(%dma_wait3A_218 : memref<16x2048xf32, #tpu.memory_space<hbm>>)
    %add3A_223 = arith.constant 64 : i32
    %add3A_224 = arith.addi %mul3A_2, %add3A_223 : i32
    %dma_start3A_225 = arith.constant 0 : i32
    %dma_start3A_226 = arith.constant 0 : i32
    %dma_start3A_227 = arith.constant 0 : i32
    %dma_start3A_228 = arith.constant 0 : i32
    %dma_start3A_229 = tpu.memref_slice %arg4[%dma_start3A_225, %dma_start3A_227, %dma_start3A_228] : memref<2x16x2048xf32, #tpu.memory_space<vmem>> -> memref<1x16x2048xf32, #tpu.memory_space<vmem>>
    %dma_start3A_230 = tpu.memref_squeeze %dma_start3A_229 : memref<1x16x2048xf32, #tpu.memory_space<vmem>> -> memref<16x2048xf32, #tpu.memory_space<vmem>>
    %dma_start3A_231 = arith.constant 0 : i32
    %dma_start3A_232 = tpu.memref_slice %arg2[%add3A_224, %dma_start3A_231] : memref<8192x2048xf32, #tpu.memory_space<hbm>> -> memref<16x2048xf32, #tpu.memory_space<hbm>>
    %dma_start3A_233 = tpu.memref_slice %arg5[%dma_start3A_226] : memref<2x!tpu.dma_semaphore, #tpu.memory_space<semaphore_mem>> -> memref<1x!tpu.dma_semaphore, #tpu.memory_space<semaphore_mem>>
    %dma_start3A_234 = tpu.memref_squeeze %dma_start3A_233 : memref<1x!tpu.dma_semaphore, #tpu.memory_space<semaphore_mem>> -> memref<!tpu.dma_semaphore, #tpu.memory_space<semaphore_mem>>
    %dma_start3A_235 = arith.constant 0 : i32
    %dma_start3A_236 = arith.constant 0 : i32
    %dma_start3A_237 = tpu.memref_slice %arg4[%dma_start3A_225, %dma_start3A_235, %dma_start3A_236] : memref<2x16x2048xf32, #tpu.memory_space<vmem>> -> memref<1x16x2048xf32, #tpu.memory_space<vmem>>
    %dma_start3A_238 = tpu.memref_squeeze %dma_start3A_237 : memref<1x16x2048xf32, #tpu.memory_space<vmem>> -> memref<16x2048xf32, #tpu.memory_space<vmem>>
    %dma_start3A_239 = arith.constant 0 : i32
    %dma_start3A_240 = tpu.memref_slice %arg2[%add3A_224, %dma_start3A_239] : memref<8192x2048xf32, #tpu.memory_space<hbm>> -> memref<16x2048xf32, #tpu.memory_space<hbm>>
    tpu.enqueue_dma source(%dma_start3A_240 : memref<16x2048xf32, #tpu.memory_space<hbm>>) target(%dma_start3A_238 : memref<16x2048xf32, #tpu.memory_space<vmem>>) target_semaphore(%dma_start3A_234 : memref<!tpu.dma_semaphore, #tpu.memory_space<semaphore_mem>>)
    %dma_wait3A_241 = arith.constant 1 : i32
    %dma_wait3A_242 = arith.constant 1 : i32
    %dma_wait3A_243 = arith.constant 0 : i32
    %dma_wait3A_244 = arith.constant 0 : i32
    %dma_wait3A_245 = tpu.memref_slice %arg4[%dma_wait3A_241, %dma_wait3A_243, %dma_wait3A_244] : memref<2x16x2048xf32, #tpu.memory_space<vmem>> -> memref<1x16x2048xf32, #tpu.memory_space<vmem>>
    %dma_wait3A_246 = tpu.memref_squeeze %dma_wait3A_245 : memref<1x16x2048xf32, #tpu.memory_space<vmem>> -> memref<16x2048xf32, #tpu.memory_space<vmem>>
    %dma_wait3A_247 = arith.constant 0 : i32
    %dma_wait3A_248 = tpu.memref_slice %arg2[%add3A_156, %dma_wait3A_247] : memref<8192x2048xf32, #tpu.memory_space<hbm>> -> memref<16x2048xf32, #tpu.memory_space<hbm>>
    %dma_wait3A_249 = tpu.memref_slice %arg5[%dma_wait3A_242] : memref<2x!tpu.dma_semaphore, #tpu.memory_space<semaphore_mem>> -> memref<1x!tpu.dma_semaphore, #tpu.memory_space<semaphore_mem>>
    %dma_wait3A_250 = tpu.memref_squeeze %dma_wait3A_249 : memref<1x!tpu.dma_semaphore, #tpu.memory_space<semaphore_mem>> -> memref<!tpu.dma_semaphore, #tpu.memory_space<semaphore_mem>>
    %dma_wait3A_251 = arith.constant 0 : i32
    %dma_wait3A_252 = arith.constant 0 : i32
    %dma_wait3A_253 = tpu.memref_slice %arg4[%dma_wait3A_241, %dma_wait3A_251, %dma_wait3A_252] : memref<2x16x2048xf32, #tpu.memory_space<vmem>> -> memref<1x16x2048xf32, #tpu.memory_space<vmem>>
    %dma_wait3A_254 = tpu.memref_squeeze %dma_wait3A_253 : memref<1x16x2048xf32, #tpu.memory_space<vmem>> -> memref<16x2048xf32, #tpu.memory_space<vmem>>
    %dma_wait3A_255 = arith.constant 0 : i32
    %dma_wait3A_256 = tpu.memref_slice %arg2[%add3A_156, %dma_wait3A_255] : memref<8192x2048xf32, #tpu.memory_space<hbm>> -> memref<16x2048xf32, #tpu.memory_space<hbm>>
    tpu.wait_dma2 semaphore(%dma_wait3A_250 : memref<!tpu.dma_semaphore, #tpu.memory_space<semaphore_mem>>) src(%dma_wait3A_256 : memref<16x2048xf32, #tpu.memory_space<hbm>>) dst(%dma_wait3A_254 : memref<16x2048xf32, #tpu.memory_space<vmem>>)
    %add3A_257 = arith.constant 48 : i32
    %add3A_258 = arith.addi %mul3A_2, %add3A_257 : i32
    %dma_start3A_259 = arith.constant 1 : i32
    %dma_start3A_260 = arith.constant 1 : i32
    %dma_start3A_261 = arith.constant 0 : i32
    %dma_start3A_262 = arith.constant 0 : i32
    %dma_start3A_263 = tpu.memref_slice %arg4[%dma_start3A_259, %dma_start3A_261, %dma_start3A_262] : memref<2x16x2048xf32, #tpu.memory_space<vmem>> -> memref<1x16x2048xf32, #tpu.memory_space<vmem>>
    %dma_start3A_264 = tpu.memref_squeeze %dma_start3A_263 : memref<1x16x2048xf32, #tpu.memory_space<vmem>> -> memref<16x2048xf32, #tpu.memory_space<vmem>>
    %dma_start3A_265 = arith.constant 0 : i32
    %dma_start3A_266 = tpu.memref_slice %arg3[%add3A_258, %dma_start3A_265] : memref<4096x2048xf32, #tpu.memory_space<hbm>> -> memref<16x2048xf32, #tpu.memory_space<hbm>>
    %dma_start3A_267 = tpu.memref_slice %arg6[%dma_start3A_260] : memref<2x!tpu.dma_semaphore, #tpu.memory_space<semaphore_mem>> -> memref<1x!tpu.dma_semaphore, #tpu.memory_space<semaphore_mem>>
    %dma_start3A_268 = tpu.memref_squeeze %dma_start3A_267 : memref<1x!tpu.dma_semaphore, #tpu.memory_space<semaphore_mem>> -> memref<!tpu.dma_semaphore, #tpu.memory_space<semaphore_mem>>
    %dma_start3A_269 = arith.constant 0 : i32
    %dma_start3A_270 = tpu.memref_slice %arg3[%add3A_258, %dma_start3A_269] : memref<4096x2048xf32, #tpu.memory_space<hbm>> -> memref<16x2048xf32, #tpu.memory_space<hbm>>
    %dma_start3A_271 = arith.constant 0 : i32
    %dma_start3A_272 = arith.constant 0 : i32
    %dma_start3A_273 = tpu.memref_slice %arg4[%dma_start3A_259, %dma_start3A_271, %dma_start3A_272] : memref<2x16x2048xf32, #tpu.memory_space<vmem>> -> memref<1x16x2048xf32, #tpu.memory_space<vmem>>
    %dma_start3A_274 = tpu.memref_squeeze %dma_start3A_273 : memref<1x16x2048xf32, #tpu.memory_space<vmem>> -> memref<16x2048xf32, #tpu.memory_space<vmem>>
    tpu.enqueue_dma source(%dma_start3A_274 : memref<16x2048xf32, #tpu.memory_space<vmem>>) target(%dma_start3A_270 : memref<16x2048xf32, #tpu.memory_space<hbm>>) target_semaphore(%dma_start3A_268 : memref<!tpu.dma_semaphore, #tpu.memory_space<semaphore_mem>>)
    %dma_wait3A_275 = arith.constant 1 : i32
    %dma_wait3A_276 = arith.constant 1 : i32
    %dma_wait3A_277 = arith.constant 0 : i32
    %dma_wait3A_278 = arith.constant 0 : i32
    %dma_wait3A_279 = tpu.memref_slice %arg4[%dma_wait3A_275, %dma_wait3A_277, %dma_wait3A_278] : memref<2x16x2048xf32, #tpu.memory_space<vmem>> -> memref<1x16x2048xf32, #tpu.memory_space<vmem>>
    %dma_wait3A_280 = tpu.memref_squeeze %dma_wait3A_279 : memref<1x16x2048xf32, #tpu.memory_space<vmem>> -> memref<16x2048xf32, #tpu.memory_space<vmem>>
    %dma_wait3A_281 = arith.constant 0 : i32
    %dma_wait3A_282 = tpu.memref_slice %arg3[%add3A_258, %dma_wait3A_281] : memref<4096x2048xf32, #tpu.memory_space<hbm>> -> memref<16x2048xf32, #tpu.memory_space<hbm>>
    %dma_wait3A_283 = tpu.memref_slice %arg6[%dma_wait3A_276] : memref<2x!tpu.dma_semaphore, #tpu.memory_space<semaphore_mem>> -> memref<1x!tpu.dma_semaphore, #tpu.memory_space<semaphore_mem>>
    %dma_wait3A_284 = tpu.memref_squeeze %dma_wait3A_283 : memref<1x!tpu.dma_semaphore, #tpu.memory_space<semaphore_mem>> -> memref<!tpu.dma_semaphore, #tpu.memory_space<semaphore_mem>>
    %dma_wait3A_285 = arith.constant 0 : i32
    %dma_wait3A_286 = tpu.memref_slice %arg3[%add3A_258, %dma_wait3A_285] : memref<4096x2048xf32, #tpu.memory_space<hbm>> -> memref<16x2048xf32, #tpu.memory_space<hbm>>
    %dma_wait3A_287 = arith.constant 0 : i32
    %dma_wait3A_288 = arith.constant 0 : i32
    %dma_wait3A_289 = tpu.memref_slice %arg4[%dma_wait3A_275, %dma_wait3A_287, %dma_wait3A_288] : memref<2x16x2048xf32, #tpu.memory_space<vmem>> -> memref<1x16x2048xf32, #tpu.memory_space<vmem>>
    %dma_wait3A_290 = tpu.memref_squeeze %dma_wait3A_289 : memref<1x16x2048xf32, #tpu.memory_space<vmem>> -> memref<16x2048xf32, #tpu.memory_space<vmem>>
    tpu.wait_dma2 semaphore(%dma_wait3A_284 : memref<!tpu.dma_semaphore, #tpu.memory_space<semaphore_mem>>) src(%dma_wait3A_290 : memref<16x2048xf32, #tpu.memory_space<vmem>>) dst(%dma_wait3A_286 : memref<16x2048xf32, #tpu.memory_space<hbm>>)
    %add3A_291 = arith.constant 80 : i32
    %add3A_292 = arith.addi %mul3A_2, %add3A_291 : i32
    %dma_start3A_293 = arith.constant 1 : i32
    %dma_start3A_294 = arith.constant 1 : i32
    %dma_start3A_295 = arith.constant 0 : i32
    %dma_start3A_296 = arith.constant 0 : i32
    %dma_start3A_297 = tpu.memref_slice %arg4[%dma_start3A_293, %dma_start3A_295, %dma_start3A_296] : memref<2x16x2048xf32, #tpu.memory_space<vmem>> -> memref<1x16x2048xf32, #tpu.memory_space<vmem>>
    %dma_start3A_298 = tpu.memref_squeeze %dma_start3A_297 : memref<1x16x2048xf32, #tpu.memory_space<vmem>> -> memref<16x2048xf32, #tpu.memory_space<vmem>>
    %dma_start3A_299 = arith.constant 0 : i32
    %dma_start3A_300 = tpu.memref_slice %arg2[%add3A_292, %dma_start3A_299] : memref<8192x2048xf32, #tpu.memory_space<hbm>> -> memref<16x2048xf32, #tpu.memory_space<hbm>>
    %dma_start3A_301 = tpu.memref_slice %arg5[%dma_start3A_294] : memref<2x!tpu.dma_semaphore, #tpu.memory_space<semaphore_mem>> -> memref<1x!tpu.dma_semaphore, #tpu.memory_space<semaphore_mem>>
    %dma_start3A_302 = tpu.memref_squeeze %dma_start3A_301 : memref<1x!tpu.dma_semaphore, #tpu.memory_space<semaphore_mem>> -> memref<!tpu.dma_semaphore, #tpu.memory_space<semaphore_mem>>
    %dma_start3A_303 = arith.constant 0 : i32
    %dma_start3A_304 = arith.constant 0 : i32
    %dma_start3A_305 = tpu.memref_slice %arg4[%dma_start3A_293, %dma_start3A_303, %dma_start3A_304] : memref<2x16x2048xf32, #tpu.memory_space<vmem>> -> memref<1x16x2048xf32, #tpu.memory_space<vmem>>
    %dma_start3A_306 = tpu.memref_squeeze %dma_start3A_305 : memref<1x16x2048xf32, #tpu.memory_space<vmem>> -> memref<16x2048xf32, #tpu.memory_space<vmem>>
    %dma_start3A_307 = arith.constant 0 : i32
    %dma_start3A_308 = tpu.memref_slice %arg2[%add3A_292, %dma_start3A_307] : memref<8192x2048xf32, #tpu.memory_space<hbm>> -> memref<16x2048xf32, #tpu.memory_space<hbm>>
    tpu.enqueue_dma source(%dma_start3A_308 : memref<16x2048xf32, #tpu.memory_space<hbm>>) target(%dma_start3A_306 : memref<16x2048xf32, #tpu.memory_space<vmem>>) target_semaphore(%dma_start3A_302 : memref<!tpu.dma_semaphore, #tpu.memory_space<semaphore_mem>>)
    %dma_wait3A_309 = arith.constant 0 : i32
    %dma_wait3A_310 = arith.constant 0 : i32
    %dma_wait3A_311 = arith.constant 0 : i32
    %dma_wait3A_312 = arith.constant 0 : i32
    %dma_wait3A_313 = tpu.memref_slice %arg4[%dma_wait3A_309, %dma_wait3A_311, %dma_wait3A_312] : memref<2x16x2048xf32, #tpu.memory_space<vmem>> -> memref<1x16x2048xf32, #tpu.memory_space<vmem>>
    %dma_wait3A_314 = tpu.memref_squeeze %dma_wait3A_313 : memref<1x16x2048xf32, #tpu.memory_space<vmem>> -> memref<16x2048xf32, #tpu.memory_space<vmem>>
    %dma_wait3A_315 = arith.constant 0 : i32
    %dma_wait3A_316 = tpu.memref_slice %arg2[%add3A_224, %dma_wait3A_315] : memref<8192x2048xf32, #tpu.memory_space<hbm>> -> memref<16x2048xf32, #tpu.memory_space<hbm>>
    %dma_wait3A_317 = tpu.memref_slice %arg5[%dma_wait3A_310] : memref<2x!tpu.dma_semaphore, #tpu.memory_space<semaphore_mem>> -> memref<1x!tpu.dma_semaphore, #tpu.memory_space<semaphore_mem>>
    %dma_wait3A_318 = tpu.memref_squeeze %dma_wait3A_317 : memref<1x!tpu.dma_semaphore, #tpu.memory_space<semaphore_mem>> -> memref<!tpu.dma_semaphore, #tpu.memory_space<semaphore_mem>>
    %dma_wait3A_319 = arith.constant 0 : i32
    %dma_wait3A_320 = arith.constant 0 : i32
    %dma_wait3A_321 = tpu.memref_slice %arg4[%dma_wait3A_309, %dma_wait3A_319, %dma_wait3A_320] : memref<2x16x2048xf32, #tpu.memory_space<vmem>> -> memref<1x16x2048xf32, #tpu.memory_space<vmem>>
    %dma_wait3A_322 = tpu.memref_squeeze %dma_wait3A_321 : memref<1x16x2048xf32, #tpu.memory_space<vmem>> -> memref<16x2048xf32, #tpu.memory_space<vmem>>
    %dma_wait3A_323 = arith.constant 0 : i32
    %dma_wait3A_324 = tpu.memref_slice %arg2[%add3A_224, %dma_wait3A_323] : memref<8192x2048xf32, #tpu.memory_space<hbm>> -> memref<16x2048xf32, #tpu.memory_space<hbm>>
    tpu.wait_dma2 semaphore(%dma_wait3A_318 : memref<!tpu.dma_semaphore, #tpu.memory_space<semaphore_mem>>) src(%dma_wait3A_324 : memref<16x2048xf32, #tpu.memory_space<hbm>>) dst(%dma_wait3A_322 : memref<16x2048xf32, #tpu.memory_space<vmem>>)
    %add3A_325 = arith.constant 64 : i32
    %add3A_326 = arith.addi %mul3A_2, %add3A_325 : i32
    %dma_start3A_327 = arith.constant 0 : i32
    %dma_start3A_328 = arith.constant 0 : i32
    %dma_start3A_329 = arith.constant 0 : i32
    %dma_start3A_330 = arith.constant 0 : i32
    %dma_start3A_331 = tpu.memref_slice %arg4[%dma_start3A_327, %dma_start3A_329, %dma_start3A_330] : memref<2x16x2048xf32, #tpu.memory_space<vmem>> -> memref<1x16x2048xf32, #tpu.memory_space<vmem>>
    %dma_start3A_332 = tpu.memref_squeeze %dma_start3A_331 : memref<1x16x2048xf32, #tpu.memory_space<vmem>> -> memref<16x2048xf32, #tpu.memory_space<vmem>>
    %dma_start3A_333 = arith.constant 0 : i32
    %dma_start3A_334 = tpu.memref_slice %arg3[%add3A_326, %dma_start3A_333] : memref<4096x2048xf32, #tpu.memory_space<hbm>> -> memref<16x2048xf32, #tpu.memory_space<hbm>>
    %dma_start3A_335 = tpu.memref_slice %arg6[%dma_start3A_328] : memref<2x!tpu.dma_semaphore, #tpu.memory_space<semaphore_mem>> -> memref<1x!tpu.dma_semaphore, #tpu.memory_space<semaphore_mem>>
    %dma_start3A_336 = tpu.memref_squeeze %dma_start3A_335 : memref<1x!tpu.dma_semaphore, #tpu.memory_space<semaphore_mem>> -> memref<!tpu.dma_semaphore, #tpu.memory_space<semaphore_mem>>
    %dma_start3A_337 = arith.constant 0 : i32
    %dma_start3A_338 = tpu.memref_slice %arg3[%add3A_326, %dma_start3A_337] : memref<4096x2048xf32, #tpu.memory_space<hbm>> -> memref<16x2048xf32, #tpu.memory_space<hbm>>
    %dma_start3A_339 = arith.constant 0 : i32
    %dma_start3A_340 = arith.constant 0 : i32
    %dma_start3A_341 = tpu.memref_slice %arg4[%dma_start3A_327, %dma_start3A_339, %dma_start3A_340] : memref<2x16x2048xf32, #tpu.memory_space<vmem>> -> memref<1x16x2048xf32, #tpu.memory_space<vmem>>
    %dma_start3A_342 = tpu.memref_squeeze %dma_start3A_341 : memref<1x16x2048xf32, #tpu.memory_space<vmem>> -> memref<16x2048xf32, #tpu.memory_space<vmem>>
    tpu.enqueue_dma source(%dma_start3A_342 : memref<16x2048xf32, #tpu.memory_space<vmem>>) target(%dma_start3A_338 : memref<16x2048xf32, #tpu.memory_space<hbm>>) target_semaphore(%dma_start3A_336 : memref<!tpu.dma_semaphore, #tpu.memory_space<semaphore_mem>>)
    %dma_wait3A_343 = arith.constant 0 : i32
    %dma_wait3A_344 = arith.constant 0 : i32
    %dma_wait3A_345 = arith.constant 0 : i32
    %dma_wait3A_346 = arith.constant 0 : i32
    %dma_wait3A_347 = tpu.memref_slice %arg4[%dma_wait3A_343, %dma_wait3A_345, %dma_wait3A_346] : memref<2x16x2048xf32, #tpu.memory_space<vmem>> -> memref<1x16x2048xf32, #tpu.memory_space<vmem>>
    %dma_wait3A_348 = tpu.memref_squeeze %dma_wait3A_347 : memref<1x16x2048xf32, #tpu.memory_space<vmem>> -> memref<16x2048xf32, #tpu.memory_space<vmem>>
    %dma_wait3A_349 = arith.constant 0 : i32
    %dma_wait3A_350 = tpu.memref_slice %arg3[%add3A_326, %dma_wait3A_349] : memref<4096x2048xf32, #tpu.memory_space<hbm>> -> memref<16x2048xf32, #tpu.memory_space<hbm>>
    %dma_wait3A_351 = tpu.memref_slice %arg6[%dma_wait3A_344] : memref<2x!tpu.dma_semaphore, #tpu.memory_space<semaphore_mem>> -> memref<1x!tpu.dma_semaphore, #tpu.memory_space<semaphore_mem>>
    %dma_wait3A_352 = tpu.memref_squeeze %dma_wait3A_351 : memref<1x!tpu.dma_semaphore, #tpu.memory_space<semaphore_mem>> -> memref<!tpu.dma_semaphore, #tpu.memory_space<semaphore_mem>>
    %dma_wait3A_353 = arith.constant 0 : i32
    %dma_wait3A_354 = tpu.memref_slice %arg3[%add3A_326, %dma_wait3A_353] : memref<4096x2048xf32, #tpu.memory_space<hbm>> -> memref<16x2048xf32, #tpu.memory_space<hbm>>
    %dma_wait3A_355 = arith.constant 0 : i32
    %dma_wait3A_356 = arith.constant 0 : i32
    %dma_wait3A_357 = tpu.memref_slice %arg4[%dma_wait3A_343, %dma_wait3A_355, %dma_wait3A_356] : memref<2x16x2048xf32, #tpu.memory_space<vmem>> -> memref<1x16x2048xf32, #tpu.memory_space<vmem>>
    %dma_wait3A_358 = tpu.memref_squeeze %dma_wait3A_357 : memref<1x16x2048xf32, #tpu.memory_space<vmem>> -> memref<16x2048xf32, #tpu.memory_space<vmem>>
    tpu.wait_dma2 semaphore(%dma_wait3A_352 : memref<!tpu.dma_semaphore, #tpu.memory_space<semaphore_mem>>) src(%dma_wait3A_358 : memref<16x2048xf32, #tpu.memory_space<vmem>>) dst(%dma_wait3A_354 : memref<16x2048xf32, #tpu.memory_space<hbm>>)
    %add3A_359 = arith.constant 96 : i32
    %add3A_360 = arith.addi %mul3A_2, %add3A_359 : i32
    %dma_start3A_361 = arith.constant 0 : i32
    %dma_start3A_362 = arith.constant 0 : i32
    %dma_start3A_363 = arith.constant 0 : i32
    %dma_start3A_364 = arith.constant 0 : i32
    %dma_start3A_365 = tpu.memref_slice %arg4[%dma_start3A_361, %dma_start3A_363, %dma_start3A_364] : memref<2x16x2048xf32, #tpu.memory_space<vmem>> -> memref<1x16x2048xf32, #tpu.memory_space<vmem>>
    %dma_start3A_366 = tpu.memref_squeeze %dma_start3A_365 : memref<1x16x2048xf32, #tpu.memory_space<vmem>> -> memref<16x2048xf32, #tpu.memory_space<vmem>>
    %dma_start3A_367 = arith.constant 0 : i32
    %dma_start3A_368 = tpu.memref_slice %arg2[%add3A_360, %dma_start3A_367] : memref<8192x2048xf32, #tpu.memory_space<hbm>> -> memref<16x2048xf32, #tpu.memory_space<hbm>>
    %dma_start3A_369 = tpu.memref_slice %arg5[%dma_start3A_362] : memref<2x!tpu.dma_semaphore, #tpu.memory_space<semaphore_mem>> -> memref<1x!tpu.dma_semaphore, #tpu.memory_space<semaphore_mem>>
    %dma_start3A_370 = tpu.memref_squeeze %dma_start3A_369 : memref<1x!tpu.dma_semaphore, #tpu.memory_space<semaphore_mem>> -> memref<!tpu.dma_semaphore, #tpu.memory_space<semaphore_mem>>
    %dma_start3A_371 = arith.constant 0 : i32
    %dma_start3A_372 = arith.constant 0 : i32
    %dma_start3A_373 = tpu.memref_slice %arg4[%dma_start3A_361, %dma_start3A_371, %dma_start3A_372] : memref<2x16x2048xf32, #tpu.memory_space<vmem>> -> memref<1x16x2048xf32, #tpu.memory_space<vmem>>
    %dma_start3A_374 = tpu.memref_squeeze %dma_start3A_373 : memref<1x16x2048xf32, #tpu.memory_space<vmem>> -> memref<16x2048xf32, #tpu.memory_space<vmem>>
    %dma_start3A_375 = arith.constant 0 : i32
    %dma_start3A_376 = tpu.memref_slice %arg2[%add3A_360, %dma_start3A_375] : memref<8192x2048xf32, #tpu.memory_space<hbm>> -> memref<16x2048xf32, #tpu.memory_space<hbm>>
    tpu.enqueue_dma source(%dma_start3A_376 : memref<16x2048xf32, #tpu.memory_space<hbm>>) target(%dma_start3A_374 : memref<16x2048xf32, #tpu.memory_space<vmem>>) target_semaphore(%dma_start3A_370 : memref<!tpu.dma_semaphore, #tpu.memory_space<semaphore_mem>>)
    %dma_wait3A_377 = arith.constant 1 : i32
    %dma_wait3A_378 = arith.constant 1 : i32
    %dma_wait3A_379 = arith.constant 0 : i32
    %dma_wait3A_380 = arith.constant 0 : i32
    %dma_wait3A_381 = tpu.memref_slice %arg4[%dma_wait3A_377, %dma_wait3A_379, %dma_wait3A_380] : memref<2x16x2048xf32, #tpu.memory_space<vmem>> -> memref<1x16x2048xf32, #tpu.memory_space<vmem>>
    %dma_wait3A_382 = tpu.memref_squeeze %dma_wait3A_381 : memref<1x16x2048xf32, #tpu.memory_space<vmem>> -> memref<16x2048xf32, #tpu.memory_space<vmem>>
    %dma_wait3A_383 = arith.constant 0 : i32
    %dma_wait3A_384 = tpu.memref_slice %arg2[%add3A_292, %dma_wait3A_383] : memref<8192x2048xf32, #tpu.memory_space<hbm>> -> memref<16x2048xf32, #tpu.memory_space<hbm>>
    %dma_wait3A_385 = tpu.memref_slice %arg5[%dma_wait3A_378] : memref<2x!tpu.dma_semaphore, #tpu.memory_space<semaphore_mem>> -> memref<1x!tpu.dma_semaphore, #tpu.memory_space<semaphore_mem>>
    %dma_wait3A_386 = tpu.memref_squeeze %dma_wait3A_385 : memref<1x!tpu.dma_semaphore, #tpu.memory_space<semaphore_mem>> -> memref<!tpu.dma_semaphore, #tpu.memory_space<semaphore_mem>>
    %dma_wait3A_387 = arith.constant 0 : i32
    %dma_wait3A_388 = arith.constant 0 : i32
    %dma_wait3A_389 = tpu.memref_slice %arg4[%dma_wait3A_377, %dma_wait3A_387, %dma_wait3A_388] : memref<2x16x2048xf32, #tpu.memory_space<vmem>> -> memref<1x16x2048xf32, #tpu.memory_space<vmem>>
    %dma_wait3A_390 = tpu.memref_squeeze %dma_wait3A_389 : memref<1x16x2048xf32, #tpu.memory_space<vmem>> -> memref<16x2048xf32, #tpu.memory_space<vmem>>
    %dma_wait3A_391 = arith.constant 0 : i32
    %dma_wait3A_392 = tpu.memref_slice %arg2[%add3A_292, %dma_wait3A_391] : memref<8192x2048xf32, #tpu.memory_space<hbm>> -> memref<16x2048xf32, #tpu.memory_space<hbm>>
    tpu.wait_dma2 semaphore(%dma_wait3A_386 : memref<!tpu.dma_semaphore, #tpu.memory_space<semaphore_mem>>) src(%dma_wait3A_392 : memref<16x2048xf32, #tpu.memory_space<hbm>>) dst(%dma_wait3A_390 : memref<16x2048xf32, #tpu.memory_space<vmem>>)
    %add3A_393 = arith.constant 80 : i32
    %add3A_394 = arith.addi %mul3A_2, %add3A_393 : i32
    %dma_start3A_395 = arith.constant 1 : i32
    %dma_start3A_396 = arith.constant 1 : i32
    %dma_start3A_397 = arith.constant 0 : i32
    %dma_start3A_398 = arith.constant 0 : i32
    %dma_start3A_399 = tpu.memref_slice %arg4[%dma_start3A_395, %dma_start3A_397, %dma_start3A_398] : memref<2x16x2048xf32, #tpu.memory_space<vmem>> -> memref<1x16x2048xf32, #tpu.memory_space<vmem>>
    %dma_start3A_400 = tpu.memref_squeeze %dma_start3A_399 : memref<1x16x2048xf32, #tpu.memory_space<vmem>> -> memref<16x2048xf32, #tpu.memory_space<vmem>>
    %dma_start3A_401 = arith.constant 0 : i32
    %dma_start3A_402 = tpu.memref_slice %arg3[%add3A_394, %dma_start3A_401] : memref<4096x2048xf32, #tpu.memory_space<hbm>> -> memref<16x2048xf32, #tpu.memory_space<hbm>>
    %dma_start3A_403 = tpu.memref_slice %arg6[%dma_start3A_396] : memref<2x!tpu.dma_semaphore, #tpu.memory_space<semaphore_mem>> -> memref<1x!tpu.dma_semaphore, #tpu.memory_space<semaphore_mem>>
    %dma_start3A_404 = tpu.memref_squeeze %dma_start3A_403 : memref<1x!tpu.dma_semaphore, #tpu.memory_space<semaphore_mem>> -> memref<!tpu.dma_semaphore, #tpu.memory_space<semaphore_mem>>
    %dma_start3A_405 = arith.constant 0 : i32
    %dma_start3A_406 = tpu.memref_slice %arg3[%add3A_394, %dma_start3A_405] : memref<4096x2048xf32, #tpu.memory_space<hbm>> -> memref<16x2048xf32, #tpu.memory_space<hbm>>
    %dma_start3A_407 = arith.constant 0 : i32
    %dma_start3A_408 = arith.constant 0 : i32
    %dma_start3A_409 = tpu.memref_slice %arg4[%dma_start3A_395, %dma_start3A_407, %dma_start3A_408] : memref<2x16x2048xf32, #tpu.memory_space<vmem>> -> memref<1x16x2048xf32, #tpu.memory_space<vmem>>
    %dma_start3A_410 = tpu.memref_squeeze %dma_start3A_409 : memref<1x16x2048xf32, #tpu.memory_space<vmem>> -> memref<16x2048xf32, #tpu.memory_space<vmem>>
    tpu.enqueue_dma source(%dma_start3A_410 : memref<16x2048xf32, #tpu.memory_space<vmem>>) target(%dma_start3A_406 : memref<16x2048xf32, #tpu.memory_space<hbm>>) target_semaphore(%dma_start3A_404 : memref<!tpu.dma_semaphore, #tpu.memory_space<semaphore_mem>>)
    %dma_wait3A_411 = arith.constant 1 : i32
    %dma_wait3A_412 = arith.constant 1 : i32
    %dma_wait3A_413 = arith.constant 0 : i32
    %dma_wait3A_414 = arith.constant 0 : i32
    %dma_wait3A_415 = tpu.memref_slice %arg4[%dma_wait3A_411, %dma_wait3A_413, %dma_wait3A_414] : memref<2x16x2048xf32, #tpu.memory_space<vmem>> -> memref<1x16x2048xf32, #tpu.memory_space<vmem>>
    %dma_wait3A_416 = tpu.memref_squeeze %dma_wait3A_415 : memref<1x16x2048xf32, #tpu.memory_space<vmem>> -> memref<16x2048xf32, #tpu.memory_space<vmem>>
    %dma_wait3A_417 = arith.constant 0 : i32
    %dma_wait3A_418 = tpu.memref_slice %arg3[%add3A_394, %dma_wait3A_417] : memref<4096x2048xf32, #tpu.memory_space<hbm>> -> memref<16x2048xf32, #tpu.memory_space<hbm>>
    %dma_wait3A_419 = tpu.memref_slice %arg6[%dma_wait3A_412] : memref<2x!tpu.dma_semaphore, #tpu.memory_space<semaphore_mem>> -> memref<1x!tpu.dma_semaphore, #tpu.memory_space<semaphore_mem>>
    %dma_wait3A_420 = tpu.memref_squeeze %dma_wait3A_419 : memref<1x!tpu.dma_semaphore, #tpu.memory_space<semaphore_mem>> -> memref<!tpu.dma_semaphore, #tpu.memory_space<semaphore_mem>>
    %dma_wait3A_421 = arith.constant 0 : i32
    %dma_wait3A_422 = tpu.memref_slice %arg3[%add3A_394, %dma_wait3A_421] : memref<4096x2048xf32, #tpu.memory_space<hbm>> -> memref<16x2048xf32, #tpu.memory_space<hbm>>
    %dma_wait3A_423 = arith.constant 0 : i32
    %dma_wait3A_424 = arith.constant 0 : i32
    %dma_wait3A_425 = tpu.memref_slice %arg4[%dma_wait3A_411, %dma_wait3A_423, %dma_wait3A_424] : memref<2x16x2048xf32, #tpu.memory_space<vmem>> -> memref<1x16x2048xf32, #tpu.memory_space<vmem>>
    %dma_wait3A_426 = tpu.memref_squeeze %dma_wait3A_425 : memref<1x16x2048xf32, #tpu.memory_space<vmem>> -> memref<16x2048xf32, #tpu.memory_space<vmem>>
    tpu.wait_dma2 semaphore(%dma_wait3A_420 : memref<!tpu.dma_semaphore, #tpu.memory_space<semaphore_mem>>) src(%dma_wait3A_426 : memref<16x2048xf32, #tpu.memory_space<vmem>>) dst(%dma_wait3A_422 : memref<16x2048xf32, #tpu.memory_space<hbm>>)
    %add3A_427 = arith.constant 112 : i32
    %add3A_428 = arith.addi %mul3A_2, %add3A_427 : i32
    %dma_start3A_429 = arith.constant 1 : i32
    %dma_start3A_430 = arith.constant 1 : i32
    %dma_start3A_431 = arith.constant 0 : i32
    %dma_start3A_432 = arith.constant 0 : i32
    %dma_start3A_433 = tpu.memref_slice %arg4[%dma_start3A_429, %dma_start3A_431, %dma_start3A_432] : memref<2x16x2048xf32, #tpu.memory_space<vmem>> -> memref<1x16x2048xf32, #tpu.memory_space<vmem>>
    %dma_start3A_434 = tpu.memref_squeeze %dma_start3A_433 : memref<1x16x2048xf32, #tpu.memory_space<vmem>> -> memref<16x2048xf32, #tpu.memory_space<vmem>>
    %dma_start3A_435 = arith.constant 0 : i32
    %dma_start3A_436 = tpu.memref_slice %arg2[%add3A_428, %dma_start3A_435] : memref<8192x2048xf32, #tpu.memory_space<hbm>> -> memref<16x2048xf32, #tpu.memory_space<hbm>>
    %dma_start3A_437 = tpu.memref_slice %arg5[%dma_start3A_430] : memref<2x!tpu.dma_semaphore, #tpu.memory_space<semaphore_mem>> -> memref<1x!tpu.dma_semaphore, #tpu.memory_space<semaphore_mem>>
    %dma_start3A_438 = tpu.memref_squeeze %dma_start3A_437 : memref<1x!tpu.dma_semaphore, #tpu.memory_space<semaphore_mem>> -> memref<!tpu.dma_semaphore, #tpu.memory_space<semaphore_mem>>
    %dma_start3A_439 = arith.constant 0 : i32
    %dma_start3A_440 = arith.constant 0 : i32
    %dma_start3A_441 = tpu.memref_slice %arg4[%dma_start3A_429, %dma_start3A_439, %dma_start3A_440] : memref<2x16x2048xf32, #tpu.memory_space<vmem>> -> memref<1x16x2048xf32, #tpu.memory_space<vmem>>
    %dma_start3A_442 = tpu.memref_squeeze %dma_start3A_441 : memref<1x16x2048xf32, #tpu.memory_space<vmem>> -> memref<16x2048xf32, #tpu.memory_space<vmem>>
    %dma_start3A_443 = arith.constant 0 : i32
    %dma_start3A_444 = tpu.memref_slice %arg2[%add3A_428, %dma_start3A_443] : memref<8192x2048xf32, #tpu.memory_space<hbm>> -> memref<16x2048xf32, #tpu.memory_space<hbm>>
    tpu.enqueue_dma source(%dma_start3A_444 : memref<16x2048xf32, #tpu.memory_space<hbm>>) target(%dma_start3A_442 : memref<16x2048xf32, #tpu.memory_space<vmem>>) target_semaphore(%dma_start3A_438 : memref<!tpu.dma_semaphore, #tpu.memory_space<semaphore_mem>>)
    %dma_wait3A_445 = arith.constant 0 : i32
    %dma_wait3A_446 = arith.constant 0 : i32
    %dma_wait3A_447 = arith.constant 0 : i32
    %dma_wait3A_448 = arith.constant 0 : i32
    %dma_wait3A_449 = tpu.memref_slice %arg4[%dma_wait3A_445, %dma_wait3A_447, %dma_wait3A_448] : memref<2x16x2048xf32, #tpu.memory_space<vmem>> -> memref<1x16x2048xf32, #tpu.memory_space<vmem>>
    %dma_wait3A_450 = tpu.memref_squeeze %dma_wait3A_449 : memref<1x16x2048xf32, #tpu.memory_space<vmem>> -> memref<16x2048xf32, #tpu.memory_space<vmem>>
    %dma_wait3A_451 = arith.constant 0 : i32
    %dma_wait3A_452 = tpu.memref_slice %arg2[%add3A_360, %dma_wait3A_451] : memref<8192x2048xf32, #tpu.memory_space<hbm>> -> memref<16x2048xf32, #tpu.memory_space<hbm>>
    %dma_wait3A_453 = tpu.memref_slice %arg5[%dma_wait3A_446] : memref<2x!tpu.dma_semaphore, #tpu.memory_space<semaphore_mem>> -> memref<1x!tpu.dma_semaphore, #tpu.memory_space<semaphore_mem>>
    %dma_wait3A_454 = tpu.memref_squeeze %dma_wait3A_453 : memref<1x!tpu.dma_semaphore, #tpu.memory_space<semaphore_mem>> -> memref<!tpu.dma_semaphore, #tpu.memory_space<semaphore_mem>>
    %dma_wait3A_455 = arith.constant 0 : i32
    %dma_wait3A_456 = arith.constant 0 : i32
    %dma_wait3A_457 = tpu.memref_slice %arg4[%dma_wait3A_445, %dma_wait3A_455, %dma_wait3A_456] : memref<2x16x2048xf32, #tpu.memory_space<vmem>> -> memref<1x16x2048xf32, #tpu.memory_space<vmem>>
    %dma_wait3A_458 = tpu.memref_squeeze %dma_wait3A_457 : memref<1x16x2048xf32, #tpu.memory_space<vmem>> -> memref<16x2048xf32, #tpu.memory_space<vmem>>
    %dma_wait3A_459 = arith.constant 0 : i32
    %dma_wait3A_460 = tpu.memref_slice %arg2[%add3A_360, %dma_wait3A_459] : memref<8192x2048xf32, #tpu.memory_space<hbm>> -> memref<16x2048xf32, #tpu.memory_space<hbm>>
    tpu.wait_dma2 semaphore(%dma_wait3A_454 : memref<!tpu.dma_semaphore, #tpu.memory_space<semaphore_mem>>) src(%dma_wait3A_460 : memref<16x2048xf32, #tpu.memory_space<hbm>>) dst(%dma_wait3A_458 : memref<16x2048xf32, #tpu.memory_space<vmem>>)
    %add3A_461 = arith.constant 96 : i32
    %add3A_462 = arith.addi %mul3A_2, %add3A_461 : i32
    %dma_start3A_463 = arith.constant 0 : i32
    %dma_start3A_464 = arith.constant 0 : i32
    %dma_start3A_465 = arith.constant 0 : i32
    %dma_start3A_466 = arith.constant 0 : i32
    %dma_start3A_467 = tpu.memref_slice %arg4[%dma_start3A_463, %dma_start3A_465, %dma_start3A_466] : memref<2x16x2048xf32, #tpu.memory_space<vmem>> -> memref<1x16x2048xf32, #tpu.memory_space<vmem>>
    %dma_start3A_468 = tpu.memref_squeeze %dma_start3A_467 : memref<1x16x2048xf32, #tpu.memory_space<vmem>> -> memref<16x2048xf32, #tpu.memory_space<vmem>>
    %dma_start3A_469 = arith.constant 0 : i32
    %dma_start3A_470 = tpu.memref_slice %arg3[%add3A_462, %dma_start3A_469] : memref<4096x2048xf32, #tpu.memory_space<hbm>> -> memref<16x2048xf32, #tpu.memory_space<hbm>>
    %dma_start3A_471 = tpu.memref_slice %arg6[%dma_start3A_464] : memref<2x!tpu.dma_semaphore, #tpu.memory_space<semaphore_mem>> -> memref<1x!tpu.dma_semaphore, #tpu.memory_space<semaphore_mem>>
    %dma_start3A_472 = tpu.memref_squeeze %dma_start3A_471 : memref<1x!tpu.dma_semaphore, #tpu.memory_space<semaphore_mem>> -> memref<!tpu.dma_semaphore, #tpu.memory_space<semaphore_mem>>
    %dma_start3A_473 = arith.constant 0 : i32
    %dma_start3A_474 = tpu.memref_slice %arg3[%add3A_462, %dma_start3A_473] : memref<4096x2048xf32, #tpu.memory_space<hbm>> -> memref<16x2048xf32, #tpu.memory_space<hbm>>
    %dma_start3A_475 = arith.constant 0 : i32
    %dma_start3A_476 = arith.constant 0 : i32
    %dma_start3A_477 = tpu.memref_slice %arg4[%dma_start3A_463, %dma_start3A_475, %dma_start3A_476] : memref<2x16x2048xf32, #tpu.memory_space<vmem>> -> memref<1x16x2048xf32, #tpu.memory_space<vmem>>
    %dma_start3A_478 = tpu.memref_squeeze %dma_start3A_477 : memref<1x16x2048xf32, #tpu.memory_space<vmem>> -> memref<16x2048xf32, #tpu.memory_space<vmem>>
    tpu.enqueue_dma source(%dma_start3A_478 : memref<16x2048xf32, #tpu.memory_space<vmem>>) target(%dma_start3A_474 : memref<16x2048xf32, #tpu.memory_space<hbm>>) target_semaphore(%dma_start3A_472 : memref<!tpu.dma_semaphore, #tpu.memory_space<semaphore_mem>>)
    %dma_wait3A_479 = arith.constant 0 : i32
    %dma_wait3A_480 = arith.constant 0 : i32
    %dma_wait3A_481 = arith.constant 0 : i32
    %dma_wait3A_482 = arith.constant 0 : i32
    %dma_wait3A_483 = tpu.memref_slice %arg4[%dma_wait3A_479, %dma_wait3A_481, %dma_wait3A_482] : memref<2x16x2048xf32, #tpu.memory_space<vmem>> -> memref<1x16x2048xf32, #tpu.memory_space<vmem>>
    %dma_wait3A_484 = tpu.memref_squeeze %dma_wait3A_483 : memref<1x16x2048xf32, #tpu.memory_space<vmem>> -> memref<16x2048xf32, #tpu.memory_space<vmem>>
    %dma_wait3A_485 = arith.constant 0 : i32
    %dma_wait3A_486 = tpu.memref_slice %arg3[%add3A_462, %dma_wait3A_485] : memref<4096x2048xf32, #tpu.memory_space<hbm>> -> memref<16x2048xf32, #tpu.memory_space<hbm>>
    %dma_wait3A_487 = tpu.memref_slice %arg6[%dma_wait3A_480] : memref<2x!tpu.dma_semaphore, #tpu.memory_space<semaphore_mem>> -> memref<1x!tpu.dma_semaphore, #tpu.memory_space<semaphore_mem>>
    %dma_wait3A_488 = tpu.memref_squeeze %dma_wait3A_487 : memref<1x!tpu.dma_semaphore, #tpu.memory_space<semaphore_mem>> -> memref<!tpu.dma_semaphore, #tpu.memory_space<semaphore_mem>>
    %dma_wait3A_489 = arith.constant 0 : i32
    %dma_wait3A_490 = tpu.memref_slice %arg3[%add3A_462, %dma_wait3A_489] : memref<4096x2048xf32, #tpu.memory_space<hbm>> -> memref<16x2048xf32, #tpu.memory_space<hbm>>
    %dma_wait3A_491 = arith.constant 0 : i32
    %dma_wait3A_492 = arith.constant 0 : i32
    %dma_wait3A_493 = tpu.memref_slice %arg4[%dma_wait3A_479, %dma_wait3A_491, %dma_wait3A_492] : memref<2x16x2048xf32, #tpu.memory_space<vmem>> -> memref<1x16x2048xf32, #tpu.memory_space<vmem>>
    %dma_wait3A_494 = tpu.memref_squeeze %dma_wait3A_493 : memref<1x16x2048xf32, #tpu.memory_space<vmem>> -> memref<16x2048xf32, #tpu.memory_space<vmem>>
    tpu.wait_dma2 semaphore(%dma_wait3A_488 : memref<!tpu.dma_semaphore, #tpu.memory_space<semaphore_mem>>) src(%dma_wait3A_494 : memref<16x2048xf32, #tpu.memory_space<vmem>>) dst(%dma_wait3A_490 : memref<16x2048xf32, #tpu.memory_space<hbm>>)
    %dma_wait3A_495 = arith.constant 1 : i32
    %dma_wait3A_496 = arith.constant 1 : i32
    %dma_wait3A_497 = arith.constant 0 : i32
    %dma_wait3A_498 = arith.constant 0 : i32
    %dma_wait3A_499 = tpu.memref_slice %arg4[%dma_wait3A_495, %dma_wait3A_497, %dma_wait3A_498] : memref<2x16x2048xf32, #tpu.memory_space<vmem>> -> memref<1x16x2048xf32, #tpu.memory_space<vmem>>
    %dma_wait3A_500 = tpu.memref_squeeze %dma_wait3A_499 : memref<1x16x2048xf32, #tpu.memory_space<vmem>> -> memref<16x2048xf32, #tpu.memory_space<vmem>>
    %dma_wait3A_501 = arith.constant 0 : i32
    %dma_wait3A_502 = tpu.memref_slice %arg2[%add3A_428, %dma_wait3A_501] : memref<8192x2048xf32, #tpu.memory_space<hbm>> -> memref<16x2048xf32, #tpu.memory_space<hbm>>
    %dma_wait3A_503 = tpu.memref_slice %arg5[%dma_wait3A_496] : memref<2x!tpu.dma_semaphore, #tpu.memory_space<semaphore_mem>> -> memref<1x!tpu.dma_semaphore, #tpu.memory_space<semaphore_mem>>
    %dma_wait3A_504 = tpu.memref_squeeze %dma_wait3A_503 : memref<1x!tpu.dma_semaphore, #tpu.memory_space<semaphore_mem>> -> memref<!tpu.dma_semaphore, #tpu.memory_space<semaphore_mem>>
    %dma_wait3A_505 = arith.constant 0 : i32
    %dma_wait3A_506 = arith.constant 0 : i32
    %dma_wait3A_507 = tpu.memref_slice %arg4[%dma_wait3A_495, %dma_wait3A_505, %dma_wait3A_506] : memref<2x16x2048xf32, #tpu.memory_space<vmem>> -> memref<1x16x2048xf32, #tpu.memory_space<vmem>>
    %dma_wait3A_508 = tpu.memref_squeeze %dma_wait3A_507 : memref<1x16x2048xf32, #tpu.memory_space<vmem>> -> memref<16x2048xf32, #tpu.memory_space<vmem>>
    %dma_wait3A_509 = arith.constant 0 : i32
    %dma_wait3A_510 = tpu.memref_slice %arg2[%add3A_428, %dma_wait3A_509] : memref<8192x2048xf32, #tpu.memory_space<hbm>> -> memref<16x2048xf32, #tpu.memory_space<hbm>>
    tpu.wait_dma2 semaphore(%dma_wait3A_504 : memref<!tpu.dma_semaphore, #tpu.memory_space<semaphore_mem>>) src(%dma_wait3A_510 : memref<16x2048xf32, #tpu.memory_space<hbm>>) dst(%dma_wait3A_508 : memref<16x2048xf32, #tpu.memory_space<vmem>>)
    %add3A_511 = arith.constant 112 : i32
    %add3A_512 = arith.addi %mul3A_2, %add3A_511 : i32
    %dma_start3A_513 = arith.constant 1 : i32
    %dma_start3A_514 = arith.constant 1 : i32
    %dma_start3A_515 = arith.constant 0 : i32
    %dma_start3A_516 = arith.constant 0 : i32
    %dma_start3A_517 = tpu.memref_slice %arg4[%dma_start3A_513, %dma_start3A_515, %dma_start3A_516] : memref<2x16x2048xf32, #tpu.memory_space<vmem>> -> memref<1x16x2048xf32, #tpu.memory_space<vmem>>
    %dma_start3A_518 = tpu.memref_squeeze %dma_start3A_517 : memref<1x16x2048xf32, #tpu.memory_space<vmem>> -> memref<16x2048xf32, #tpu.memory_space<vmem>>
    %dma_start3A_519 = arith.constant 0 : i32
    %dma_start3A_520 = tpu.memref_slice %arg3[%add3A_512, %dma_start3A_519] : memref<4096x2048xf32, #tpu.memory_space<hbm>> -> memref<16x2048xf32, #tpu.memory_space<hbm>>
    %dma_start3A_521 = tpu.memref_slice %arg6[%dma_start3A_514] : memref<2x!tpu.dma_semaphore, #tpu.memory_space<semaphore_mem>> -> memref<1x!tpu.dma_semaphore, #tpu.memory_space<semaphore_mem>>
    %dma_start3A_522 = tpu.memref_squeeze %dma_start3A_521 : memref<1x!tpu.dma_semaphore, #tpu.memory_space<semaphore_mem>> -> memref<!tpu.dma_semaphore, #tpu.memory_space<semaphore_mem>>
    %dma_start3A_523 = arith.constant 0 : i32
    %dma_start3A_524 = tpu.memref_slice %arg3[%add3A_512, %dma_start3A_523] : memref<4096x2048xf32, #tpu.memory_space<hbm>> -> memref<16x2048xf32, #tpu.memory_space<hbm>>
    %dma_start3A_525 = arith.constant 0 : i32
    %dma_start3A_526 = arith.constant 0 : i32
    %dma_start3A_527 = tpu.memref_slice %arg4[%dma_start3A_513, %dma_start3A_525, %dma_start3A_526] : memref<2x16x2048xf32, #tpu.memory_space<vmem>> -> memref<1x16x2048xf32, #tpu.memory_space<vmem>>
    %dma_start3A_528 = tpu.memref_squeeze %dma_start3A_527 : memref<1x16x2048xf32, #tpu.memory_space<vmem>> -> memref<16x2048xf32, #tpu.memory_space<vmem>>
    tpu.enqueue_dma source(%dma_start3A_528 : memref<16x2048xf32, #tpu.memory_space<vmem>>) target(%dma_start3A_524 : memref<16x2048xf32, #tpu.memory_space<hbm>>) target_semaphore(%dma_start3A_522 : memref<!tpu.dma_semaphore, #tpu.memory_space<semaphore_mem>>)
    %dma_wait3A_529 = arith.constant 1 : i32
    %dma_wait3A_530 = arith.constant 1 : i32
    %dma_wait3A_531 = arith.constant 0 : i32
    %dma_wait3A_532 = arith.constant 0 : i32
    %dma_wait3A_533 = tpu.memref_slice %arg4[%dma_wait3A_529, %dma_wait3A_531, %dma_wait3A_532] : memref<2x16x2048xf32, #tpu.memory_space<vmem>> -> memref<1x16x2048xf32, #tpu.memory_space<vmem>>
    %dma_wait3A_534 = tpu.memref_squeeze %dma_wait3A_533 : memref<1x16x2048xf32, #tpu.memory_space<vmem>> -> memref<16x2048xf32, #tpu.memory_space<vmem>>
    %dma_wait3A_535 = arith.constant 0 : i32
    %dma_wait3A_536 = tpu.memref_slice %arg3[%add3A_512, %dma_wait3A_535] : memref<4096x2048xf32, #tpu.memory_space<hbm>> -> memref<16x2048xf32, #tpu.memory_space<hbm>>
    %dma_wait3A_537 = tpu.memref_slice %arg6[%dma_wait3A_530] : memref<2x!tpu.dma_semaphore, #tpu.memory_space<semaphore_mem>> -> memref<1x!tpu.dma_semaphore, #tpu.memory_space<semaphore_mem>>
    %dma_wait3A_538 = tpu.memref_squeeze %dma_wait3A_537 : memref<1x!tpu.dma_semaphore, #tpu.memory_space<semaphore_mem>> -> memref<!tpu.dma_semaphore, #tpu.memory_space<semaphore_mem>>
    %dma_wait3A_539 = arith.constant 0 : i32
    %dma_wait3A_540 = tpu.memref_slice %arg3[%add3A_512, %dma_wait3A_539] : memref<4096x2048xf32, #tpu.memory_space<hbm>> -> memref<16x2048xf32, #tpu.memory_space<hbm>>
    %dma_wait3A_541 = arith.constant 0 : i32
    %dma_wait3A_542 = arith.constant 0 : i32
    %dma_wait3A_543 = tpu.memref_slice %arg4[%dma_wait3A_529, %dma_wait3A_541, %dma_wait3A_542] : memref<2x16x2048xf32, #tpu.memory_space<vmem>> -> memref<1x16x2048xf32, #tpu.memory_space<vmem>>
    %dma_wait3A_544 = tpu.memref_squeeze %dma_wait3A_543 : memref<1x16x2048xf32, #tpu.memory_space<vmem>> -> memref<16x2048xf32, #tpu.memory_space<vmem>>
    tpu.wait_dma2 semaphore(%dma_wait3A_538 : memref<!tpu.dma_semaphore, #tpu.memory_space<semaphore_mem>>) src(%dma_wait3A_544 : memref<16x2048xf32, #tpu.memory_space<vmem>>) dst(%dma_wait3A_540 : memref<16x2048xf32, #tpu.memory_space<hbm>>)
    return
  }
}

</mosaic_0001>

<sc_bundles>
// kernel: _sc_copy.3.cloned.1.call-start
scs
__scs_entry_jumppad:
0x0: {  	(pc) =	sbr.rel $0x88, $3  }
0x1: {  	(tag) =	ssettag $0x0;
	lr =	simm.s32 $0x1  }
0x2: {  	[smem:$0x3FA0] =	sst lr;
	_ =	strace $0xD0000000  }
0x3: {  	_ = 	snop  }
0x4: {  	_ = 	snop  }
0x5: {  	_ = 	snop  }
0x6: {  	_ = 	snop  }
0x7: {  	_ = 	snop  }
__scs_overlays_trampoline_lowered:
0x8: {  	[smem:$0x3FAF] =	sst s0  }
0x9: {  	[smem:$0x3FB0] =	sst s1  }
0xa: {  	[smem:$0x3FB1] =	sst s2  }
0xb: {  	[smem:$0x3FB2] =	sst s3  }
0xc: {  	[smem:$0x3FB3] =	sst s4  }
0xd: {  	[smem:$0x3FB4] =	sst s5  }
0xe: {  	[smem:$0x3FB5] =	sst s6  }
0xf: {  	[smem:$0x3FB6] =	sst s7  }
0x10: {  	[smem:$0x3FB7] =	sst s8  }
0x11: {  	[smem:$0x3FB8] =	sst s9;
	s0 =	simm.s32 @!p0 $0x0  }
0x12: {  	s1 =	sld [smem:$0x3F9E];
	s0 =	simm.s32 @p0 $0x1  }
0x13: {  	[smem:$0x3FB9] =	sst s0;
	s0 =	simm.s32 @!p1 $0x0  }
0x14: {  	s2 =	sld [smem:$0x3F9D];
	s0 =	simm.s32 @p1 $0x1  }
0x15: {  	[smem:$0x3FBA] =	sst s0;
	s0 =	simm.s32 @!p2 $0x0  }
0x16: {  	s3 =	sld [smem:$0x3FDB];
	s0 =	simm.s32 @p2 $0x1  }
0x17: {  	s4 =	simm.s32 $0x1BF5;
	[smem:$0x3FBC] =	sst s0  }
0x18: {  	s0 =	sld [smem:$0x3F9F];
	_ =	swait.ge [sflag:s4], $0x0  }
0x19: {  	s7 =	sld [smem:$0x3FA0]  }
0x1a: {  	s8 =	sadd.s32 $0xFFFFE003, lr  }
0x1b: {  	s9 =	sadd.s32 $0xFFFFFEF7, lr;
	s5 =	simm.s32 $0xFFFFFFFF;
	p2 =	slt.u32 s8, $0xFFFFF086  }
0x1c: {  	p1 =	slt.u32 s9, $0xF7A;
	s5 =	simm.s32 @!p2 $0x0  }
0x1d: {  	s5 =	simm.s32 @p1 $0x1;
	p0 =	seq.s32 s7, s2  }
0x1e: {  	s7 =	smul.u32 @!p0 $0xF7A, s2;
	p2 =	seq.s32 @!p0 s5, $0x0  }
0x1f: {  	s9 =	smul.u32 $0xF7A, s1;
	s8 =	simm.s32 @!p0 $0x1BF5;
	p2 =	por !p2, p0  }
0x20: {  	[sflag:s8] =	ssyncset.s32 @!p0 $0xFFFFF086;
	s6 =	sadd.s32 @!p0 s3, s7;
	s7 =	simm.s32 @!p0 $0x108  }
0x21: {  	s3 =	sadd.s32 s3, s9;
	s6 =	sadd.s32 @!p0 $0x88, s6;
	s7 =	simm.s32 @p2 $0x1082  }
0x22: {  	[simem:s7], [sflag:s8] =	dma.local @!p0 [hbm:s6], $0xF7A  }
0x23: {  	s9 =	sor.u32 $0xD0000000, s2;
	s6 =	simm.s32 $0x108;
	_ =	swait.ge @!p0 [sflag:s8], $0x0  }
0x24: {  	s3 =	sadd.s32 $0x88, s3;
	s6 =	simm.s32 @!p1 $0x1082;
	[sflag:s4] =	ssyncset.s32 $0xFFFFF086  }
0x25: {  	[simem:s6], [sflag:s4] =	dma.local [hbm:s3], $0xF7A  }
0x26: {  	[smem:$0x3FA0] =	sst s1;
	(tag) =	ssettag s2;
	_ =	strace s9  }
0x27: {  	s1 =	sld [smem:$0x3FB0]  }
0x28: {  	s2 =	sld [smem:$0x3FB1]  }
0x29: {  	s4 =	sld [smem:$0x3FB3]  }
0x2a: {  	p0 =	seq.s32 s5, $0x0;
	s5 =	sld [smem:$0x3FB4]  }
0x2b: {  	s6 =	sld [smem:$0x3FB5]  }
0x2c: {  	s7 =	sld [smem:$0x3FB6]  }
0x2d: {  	s3 =	simm.s32 $0x108;
	s8 =	sld [smem:$0x3FB7]  }
0x2e: {  	s3 =	simm.s32 @!p0 $0x1082;
	s9 =	sld [smem:$0x3FB8]  }
0x2f: {  	lr =	sadd.s32 s0, s3;
	s0 =	sld [smem:$0x3FAF]  }
0x30: {  	s3 =	sld [smem:$0x3FB2]  }
0x31: {  	[smem:$0x3FBB] =	sst s10  }
0x32: {  	s10 =	sld [smem:$0x3FB9];
	_ =	sdelay $0x3  }
0x33: {  	p0 =	seq.s32 s10, $0x1;
	s10 =	sld [smem:$0x3FBB];
	_ =	sdelay $0x3  }
0x34: {  	[smem:$0x3FBB] =	sst s10  }
0x35: {  	s10 =	sld [smem:$0x3FBA];
	_ =	sdelay $0x3  }
0x36: {  	p1 =	seq.s32 s10, $0x1;
	s10 =	sld [smem:$0x3FBB];
	_ =	sdelay $0x3  }
0x37: {  	[smem:$0x3FBB] =	sst s10  }
0x38: {  	s10 =	sld [smem:$0x3FBC]  }
0x39: {  	_ = 	snop;
	(pc) =	sbr.ind lr, $3  }
0x3a: {  	_ = 	snop  }
0x3b: {  	_ = 	snop  }
0x3c: {  	p2 =	seq.s32 s10, $0x1;
	s10 =	sld [smem:$0x3FBB]  }
0x3d: {  	_ =	shalt  }
0x3e: {  	_ =	shalt  }
0x3f: {  	_ =	shalt  }
0x40: {  	_ =	shalt  }
0x41: {  	_ =	shalt  }
0x42: {  	_ =	shalt  }
0x43: {  	_ =	shalt  }
0x44: {  	_ =	shalt  }
0x45: {  	_ =	shalt  }
0x46: {  	_ =	shalt  }
0x47: {  	_ =	shalt  }
0x48: {  	_ =	shalt  }
0x49: {  	_ =	shalt  }
0x4a: {  	_ =	shalt  }
0x4b: {  	_ =	shalt  }
0x4c: {  	_ =	shalt  }
0x4d: {  	_ =	shalt  }
0x4e: {  	_ =	shalt  }
0x4f: {  	_ =	shalt  }
0x50: {  	_ =	shalt  }
0x51: {  	_ =	shalt  }
0x52: {  	_ =	shalt  }
0x53: {  	_ =	shalt  }
0x54: {  	_ =	shalt  }
0x55: {  	_ =	shalt  }
0x56: {  	_ =	shalt  }
0x57: {  	_ =	shalt  }
0x58: {  	_ =	shalt  }
0x59: {  	_ =	shalt  }
0x5a: {  	_ =	shalt  }
0x5b: {  	_ =	shalt  }
0x5c: {  	_ =	shalt  }
0x5d: {  	_ =	shalt  }
0x5e: {  	_ =	shalt  }
0x5f: {  	_ =	shalt  }
0x60: {  	_ =	shalt  }
0x61: {  	_ =	shalt  }
0x62: {  	_ =	shalt  }
0x63: {  	_ =	shalt  }
0x64: {  	_ =	shalt  }
0x65: {  	_ =	shalt  }
0x66: {  	_ =	shalt  }
0x67: {  	_ =	shalt  }
0x68: {  	_ =	shalt  }
0x69: {  	_ =	shalt  }
0x6a: {  	_ =	shalt  }
0x6b: {  	_ =	shalt  }
0x6c: {  	_ =	shalt  }
0x6d: {  	_ =	shalt  }
0x6e: {  	_ =	shalt  }
0x6f: {  	_ =	shalt  }
0x70: {  	_ =	shalt  }
0x71: {  	_ =	shalt  }
0x72: {  	_ =	shalt  }
0x73: {  	_ =	shalt  }
0x74: {  	_ =	shalt  }
0x75: {  	_ =	shalt  }
0x76: {  	_ =	shalt  }
0x77: {  	_ =	shalt  }
0x78: {  	_ =	shalt  }
0x79: {  	_ =	shalt  }
0x7a: {  	_ =	shalt  }
0x7b: {  	_ =	shalt  }
0x7c: {  	_ =	shalt  }
0x7d: {  	_ =	shalt  }
0x7e: {  	_ =	shalt  }
0x7f: {  	_ =	shalt  }
0x80: {  	_ =	shalt  }
0x81: {  	_ =	shalt  }
0x82: {  	_ =	shalt  }
0x83: {  	_ =	shalt  }
0x84: {  	_ =	shalt  }
0x85: {  	_ =	shalt  }
0x86: {  	_ =	shalt  }
0x87: {  	_ =	shalt  }
.Lfunc_end0:
.L_simem_size_0:
called_computation_lowered:
.L_overlay_start_0:
0x88: {  	s2 =	sld [smem:$0x3FD9]  }
0x89: {  	s3 =	sld [smem:$0x3FFE];
	_ =	sdelay $0x1  }
0x8a: {  	s1 =	srdreg.scid  }
0x8b: {  	s0 =	sand.u32 $0x1, s1  }
0x8c: {  	s18 =	sshll.u32 s0, $0xA;
	s2 =	sadd.s32 s3, s2  }
0x8d: {  	s2 =	sadd.s32 s2, s18  }
0x8e: {  	[smem:$0x3FC7] =	sst s2  }
0x8f: {  	_ = 	snop  }
0x90: {  	s2 =	sld [smem:$0x3FC9]  }
0x91: {  	s19 =	sld [smem:$0x3FD0];
	(tm) =	ssettm $0x1  }
0x92: {  	s4 =	sld [smem:$0x3FFB];
	_ =	sdelay $0x3  }
0x93: {  	_ =	strace s4  }
0x94: {  	s4 =	sld [smem:$0x3FFC];
	_ =	sdelay $0x3  }
0x95: {  	_ =	strace s4  }
0x96: {  	s4 =	sld [smem:$0x3FFD];
	_ =	sdelay $0x3  }
0x97: {  	_ =	strace s4  }
0x98: {  	_ =	strace $0x8FFFFFFF  }
0x99: {  	s20 =	sld [smem:$0x3FDB];
	_ =	sdelay $0x1  }
0x9a: {  	s5 =	simm.s32 $_scs_section_size  }
0x9b: {  	s6 =	simm.s32 $_size__tile_overlayer_lowered;
	s7 =	simm.s32 $_tile_overlayer_lowered  }
0x9c: {  	s23 =	simm.s32 $0x1BFF;
	s22 =	sshll.u32 s7, $0x1;
	s4 =	sadd.s32 s5, s20  }
0x9d: {  	s8 =	simm.s32 $0x0;
	s21 =	sshll.u32 s6, $0x1;
	s6 =	sadd.s32 s22, s4  }
0x9e: {  	[timem:s8], [sflag:s23] =	dma.local [hbm:s6], s21  }
0x9f: {  	_ =	swait.ge [sflag:s23], s21  }
0xa0: {  	s5 =	ssub.s32 $0x0, s21;
	[sflag:s23] =	ssyncset.done $0x0  }
0xa1: {  	[sflag:s23] =	ssyncadd.s32 s5;
	_ =	sdelay $0x1  }
0xa2: {  	s24 =	simm.s32 $0x1B8B  }
0xa3: {  	_ =	swait.ge [sflag:s24], $0x1  }
0xa4: {  	[sflag:s24] =	ssyncset.done $0x0  }
0xa5: {  	s25 =	simm.s32 $0x1B8E;
	[sflag:s24] =	ssyncadd.s32 $0xFFFFFFFF  }
0xa6: {  	s26 =	simm.s32 $execute0_lowered;
	[smem:$0x3FD2] =	sst s25  }
0xa7: {  	s5 =	sshll.u32 s26, $0x1;
	_ =	strace $0x80000046;
	[dreg:$0x1] =	wrdreg $0xFFFFFFFF  }
0xa8: {  	s28 =	simm.s32 $_size_execute0_lowered;
	s4 =	sadd.s32 s4, s5;
	[dreg:$0x0] =	wrdreg $0x0  }
0xa9: {  	s5 =	sshll.u32 s28, $0x1;
	[dreg:$0x2] =	wrdreg s4  }
0xaa: {  	[dreg:$0x3] =	wrdreg s5  }
0xab: {  	[dreg:$0x4] =	wrdreg $0xC0  }
0xac: {  	_ =	task [dreg:s8], $0x5FFFF  }
0xad: {  	[dreg:$0x1] =	wrdreg $0xFFFFFFFF  }
0xae: {  	[dreg:$0x0] =	wrdreg $0x60  }
0xaf: {  	[dreg:$0x2] =	wrdreg s2  }
0xb0: {  	[dreg:$0x3] =	wrdreg s19  }
0xb1: {  	[dreg:$0x4] =	wrdreg $0x9  }
0xb2: {  	_ =	task.clear_ibuf [dreg:s8], $0x5FFFF;
	_ =	strace $0x90000046  }
0xb3: {  	s29 =	simm.s32 $0x9;
	_ =	strace $0x80000048  }
0xb4: {  	_ =	swait.ge [sflag:s29], $0x1  }
0xb5: {  	[sflag:s29] =	ssyncadd.s32 $0xFFFFFFFF  }
0xb6: {  	_ =	strace $0x90000048  }
0xb7: {  	_ =	sfence  }
0xb8: {  	s30 =	sld [smem:$0x0];
	_ =	sdelay $0x2  }
0xb9: {  	s31 =	sshll.u32 s1, $0xD;
	s1 =	sshrl.u32 s1, $0x2  }
0xba: {  	s3 =	sand.u32 $0x4000, s31;
	s1 =	sadd.s32 s1, s30  }
0xbb: {  	s0 =	sor.u32 s3, s0;
	s1 =	sshll.u32 s1, $0x11  }
0xbc: {  	s0 =	sor.u32 s1, s0  }
0xbd: {  	s0 =	sadd.s32 $0x8F2B, s0  }
0xbe: {  	[sflag:s0] =	ssyncadd.remote.s32 $0x1  }
0xbf: {  	_ =	sfence.sel $0xFFFF  }
0xc0: {  	[dreg:$0x0] =	wrdreg $0xFFFFFFFF;
	(pc) =	sbr.abs _section_cstart, $3  }
0xc1: {  	[dreg:$0x1] =	wrdreg $0xFFFFFFFF  }
0xc2: {  	_ =	task.clear_ibuf [dreg:s8], $0x2FFFF;
	_ =	strace $0x9FFFFFFF  }
0xc3: {  	(tm) =	ssettm $0x7FFFFFFF  }
tec
execute0_lowered:
.L_overlay_start_1:
0x0: {  	(tag) =	ssettag $0x1  }
0x1: {  	s21 =	rddreg [dreg:$0x0]  }
0x2: {  	s23 =	rddreg [dreg:$0x1];
	s2 =	srdreg.scid  }
0x3: {  	s0 =	rddreg [dreg:$0x2];
	s1 =	stileid.u32;
	s24 =	sand.u32 $0x1, s2  }
0x4: {  	s2 =	simm.s32 $0x0;
	s3 =	sshll.u32 s1, $0x10;
	s4 =	sshll.u32 s24, $0xF  }
0x5: {  	[smem:$0x7FF] =	sst s2;
	s22 =	sor.u32 s4, s3  }
0x6: {  	_ =	strace $0x80000047;
	s3 =	sadd.s32 s21, s22;
	s11 =	sor.u32 $0x1000, s22  }
0x7: {  	[tilespmem:s2], [sflag:$0x1] =	stream.linear.gather [hbm4b:s3+s2], $0x8000, $0x38;
	[tilespmem:$0x10000] =	vst v63  }
0x8: {  	s5 =	simm.s32 $0x8000;
	s6 =	simm.s32 $0x1;
	s4 =	sadd.s32 s21, s11  }
0x9: {  	[tilespmem:s5], [sflag:$0x2] =	stream.linear.gather [hbm4b:s4+s2], $0x8000, $0x38;
	[tilespmem:$0x10000] =	vst v63  }
0xa: {  	_ =	swait.ge [sflag:s6], $0x8000  }
0xb: {  	[sflag:s6] =	ssyncset.done $0x0  }
0xc: {  	s8 =	simm.s32 $0x3;
	s7 =	sadd.s32 s23, s22;
	[sflag:s6] =	ssyncadd.s32 $0xFFFF8000  }
0xd: {  	[hbm4b:s7+s2] =	stream.linear.scatter [tilespmem:s2], [sflag:$0x3], $0x8000, $0x38;
	[tilespmem:$0x10000] =	vst v63  }
0xe: {  	_ =	swait.ge [sflag:s8], $0x8000  }
0xf: {  	s14 =	sor.u32 $0x2000, s22;
	[sflag:s8] =	ssyncset.done $0x0  }
0x10: {  	s10 =	simm.s32 $0x2;
	s9 =	sadd.s32 s21, s14;
	[sflag:s8] =	ssyncadd.s32 $0xFFFF8000  }
0x11: {  	[tilespmem:s2], [sflag:$0x1] =	stream.linear.gather [hbm4b:s9+s2], $0x8000, $0x38;
	[tilespmem:$0x10000] =	vst v63  }
0x12: {  	_ =	swait.ge [sflag:s10], $0x8000  }
0x13: {  	[sflag:s10] =	ssyncset.done $0x0  }
0x14: {  	s12 =	sadd.s32 s23, s11;
	s11 =	simm.s32 $0x4;
	[sflag:s10] =	ssyncadd.s32 $0xFFFF8000  }
0x15: {  	[hbm4b:s12+s2] =	stream.linear.scatter [tilespmem:s5], [sflag:$0x4], $0x8000, $0x38;
	[tilespmem:$0x10000] =	vst v63  }
0x16: {  	_ =	swait.ge [sflag:s11], $0x8000  }
0x17: {  	s16 =	sor.u32 $0x3000, s22;
	[sflag:s11] =	ssyncset.done $0x0  }
0x18: {  	s13 =	sadd.s32 s21, s16;
	[sflag:s11] =	ssyncadd.s32 $0xFFFF8000  }
0x19: {  	[tilespmem:s5], [sflag:$0x2] =	stream.linear.gather [hbm4b:s13+s2], $0x8000, $0x38;
	[tilespmem:$0x10000] =	vst v63  }
0x1a: {  	_ =	swait.ge [sflag:s6], $0x8000  }
0x1b: {  	[sflag:s6] =	ssyncset.done $0x0  }
0x1c: {  	s14 =	sadd.s32 s23, s14;
	[sflag:s6] =	ssyncadd.s32 $0xFFFF8000  }
0x1d: {  	[hbm4b:s14+s2] =	stream.linear.scatter [tilespmem:s2], [sflag:$0x3], $0x8000, $0x38;
	[tilespmem:$0x10000] =	vst v63  }
0x1e: {  	_ =	swait.ge [sflag:s8], $0x8000  }
0x1f: {  	s18 =	sor.u32 $0x4000, s22;
	[sflag:s8] =	ssyncset.done $0x0  }
0x20: {  	s15 =	sadd.s32 s21, s18;
	[sflag:s8] =	ssyncadd.s32 $0xFFFF8000  }
0x21: {  	[tilespmem:s2], [sflag:$0x1] =	stream.linear.gather [hbm4b:s15+s2], $0x8000, $0x38;
	[tilespmem:$0x10000] =	vst v63  }
0x22: {  	_ =	swait.ge [sflag:s10], $0x8000  }
0x23: {  	[sflag:s10] =	ssyncset.done $0x0  }
0x24: {  	s16 =	sadd.s32 s23, s16;
	[sflag:s10] =	ssyncadd.s32 $0xFFFF8000  }
0x25: {  	[hbm4b:s16+s2] =	stream.linear.scatter [tilespmem:s5], [sflag:$0x4], $0x8000, $0x38;
	[tilespmem:$0x10000] =	vst v63  }
0x26: {  	_ =	swait.ge [sflag:s11], $0x8000  }
0x27: {  	s20 =	sor.u32 $0x5000, s22;
	[sflag:s11] =	ssyncset.done $0x0  }
0x28: {  	s17 =	sadd.s32 s21, s20;
	[sflag:s11] =	ssyncadd.s32 $0xFFFF8000  }
0x29: {  	[tilespmem:s5], [sflag:$0x2] =	stream.linear.gather [hbm4b:s17+s2], $0x8000, $0x38;
	[tilespmem:$0x10000] =	vst v63  }
0x2a: {  	_ =	swait.ge [sflag:s6], $0x8000  }
0x2b: {  	[sflag:s6] =	ssyncset.done $0x0  }
0x2c: {  	s18 =	sadd.s32 s23, s18;
	[sflag:s6] =	ssyncadd.s32 $0xFFFF8000  }
0x2d: {  	[hbm4b:s18+s2] =	stream.linear.scatter [tilespmem:s2], [sflag:$0x3], $0x8000, $0x38;
	[tilespmem:$0x10000] =	vst v63  }
0x2e: {  	_ =	swait.ge [sflag:s8], $0x8000  }
0x2f: {  	s25 =	sor.u32 $0x6000, s22;
	[sflag:s8] =	ssyncset.done $0x0  }
0x30: {  	s19 =	sadd.s32 s21, s25;
	[sflag:s8] =	ssyncadd.s32 $0xFFFF8000  }
0x31: {  	[tilespmem:s2], [sflag:$0x1] =	stream.linear.gather [hbm4b:s19+s2], $0x8000, $0x38;
	[tilespmem:$0x10000] =	vst v63  }
0x32: {  	_ =	swait.ge [sflag:s10], $0x8000  }
0x33: {  	[sflag:s10] =	ssyncset.done $0x0  }
0x34: {  	s20 =	sadd.s32 s23, s20;
	[sflag:s10] =	ssyncadd.s32 $0xFFFF8000  }
0x35: {  	[hbm4b:s20+s2] =	stream.linear.scatter [tilespmem:s5], [sflag:$0x4], $0x8000, $0x38;
	[tilespmem:$0x10000] =	vst v63  }
0x36: {  	_ =	swait.ge [sflag:s11], $0x8000  }
0x37: {  	s26 =	sor.u32 $0x7000, s22;
	[sflag:s11] =	ssyncset.done $0x0  }
0x38: {  	s21 =	sadd.s32 s21, s26;
	[sflag:s11] =	ssyncadd.s32 $0xFFFF8000  }
0x39: {  	[tilespmem:s5], [sflag:$0x2] =	stream.linear.gather [hbm4b:s21+s2], $0x8000, $0x38;
	[tilespmem:$0x10000] =	vst v63  }
0x3a: {  	_ =	swait.ge [sflag:s6], $0x8000  }
0x3b: {  	[sflag:s6] =	ssyncset.done $0x0  }
0x3c: {  	s24 =	ssub.s32 $0x2, s24;
	s22 =	sadd.s32 s23, s25;
	[sflag:s6] =	ssyncadd.s32 $0xFFFF8000  }
0x3d: {  	[hbm4b:s22+s2] =	stream.linear.scatter [tilespmem:s2], [sflag:$0x3], $0x8000, $0x38;
	[tilespmem:$0x10000] =	vst v63  }
0x3e: {  	s31 =	sshrl.u32 s24, $0x1;
	_ =	swait.ge [sflag:s8], $0x8000  }
0x3f: {  	s24 =	ssub.s32 s24, s31;
	[sflag:s8] =	ssyncset.done $0x0  }
0x40: {  	s24 =	smax.u32 s24, $0x1;
	[sflag:s8] =	ssyncadd.s32 $0xFFFF8000  }
0x41: {  	p0 =	sne.s32 s24, $0x1;
	_ =	swait.ge [sflag:s10], $0x8000  }
.Ltmp0:
0x42: {  	[sflag:s10] =	ssyncset.done $0x0;
	(pc) =	sbr.rel @!p0 .LBB2_2-.Ltmp0, $4  }
0x43: {  	s23 =	sadd.s32 s23, s26;
	[sflag:s10] =	ssyncadd.s32 $0xFFFF8000  }
0x44: {  	[hbm4b:s23+s2] =	stream.linear.scatter [tilespmem:s5], [sflag:$0x4], $0x8000, $0x38;
	[tilespmem:$0x10000] =	vst v63  }
0x45: {  	_ =	swait.ge [sflag:s11], $0x8000  }
0x46: {  	s24 =	sadd.s32 $0xFFFFFFFF, s24;
	[sflag:s11] =	ssyncset.done $0x0  }
.LBB2_1:
0x47: {  	p0 =	sne.s32 s24, $0x1;
	s24 =	sadd.s32 $0xFFFFFFFF, s24;
	[sflag:s11] =	ssyncadd.s32 $0xFFFF8000  }
0x48: {  	[tilespmem:s2], [sflag:$0x1] =	stream.linear.gather [hbm4b:s3+s2], $0x8000, $0x38;
	[tilespmem:$0x10000] =	vst v63  }
0x49: {  	_ = 	snop  }
0x4a: {  	[tilespmem:s5], [sflag:$0x2] =	stream.linear.gather [hbm4b:s4+s2], $0x8000, $0x38;
	[tilespmem:$0x10000] =	vst v63  }
0x4b: {  	_ =	swait.ge [sflag:s6], $0x8000  }
0x4c: {  	[sflag:s6] =	ssyncset.done $0x0  }
0x4d: {  	[sflag:s6] =	ssyncadd.s32 $0xFFFF8000  }
0x4e: {  	[hbm4b:s7+s2] =	stream.linear.scatter [tilespmem:s2], [sflag:$0x3], $0x8000, $0x38;
	[tilespmem:$0x10000] =	vst v63  }
0x4f: {  	_ =	swait.ge [sflag:s8], $0x8000  }
0x50: {  	[sflag:s8] =	ssyncset.done $0x0  }
0x51: {  	[sflag:s8] =	ssyncadd.s32 $0xFFFF8000  }
0x52: {  	[tilespmem:s2], [sflag:$0x1] =	stream.linear.gather [hbm4b:s9+s2], $0x8000, $0x38;
	[tilespmem:$0x10000] =	vst v63  }
0x53: {  	_ =	swait.ge [sflag:s10], $0x8000  }
0x54: {  	[sflag:s10] =	ssyncset.done $0x0  }
0x55: {  	[sflag:s10] =	ssyncadd.s32 $0xFFFF8000  }
0x56: {  	[hbm4b:s12+s2] =	stream.linear.scatter [tilespmem:s5], [sflag:$0x4], $0x8000, $0x38;
	[tilespmem:$0x10000] =	vst v63  }
0x57: {  	_ =	swait.ge [sflag:s11], $0x8000  }
0x58: {  	[sflag:s11] =	ssyncset.done $0x0  }
0x59: {  	[sflag:s11] =	ssyncadd.s32 $0xFFFF8000  }
0x5a: {  	[tilespmem:s5], [sflag:$0x2] =	stream.linear.gather [hbm4b:s13+s2], $0x8000, $0x38;
	[tilespmem:$0x10000] =	vst v63  }
0x5b: {  	_ =	swait.ge [sflag:s6], $0x8000  }
0x5c: {  	[sflag:s6] =	ssyncset.done $0x0  }
0x5d: {  	[sflag:s6] =	ssyncadd.s32 $0xFFFF8000  }
0x5e: {  	[hbm4b:s14+s2] =	stream.linear.scatter [tilespmem:s2], [sflag:$0x3], $0x8000, $0x38;
	[tilespmem:$0x10000] =	vst v63  }
0x5f: {  	_ =	swait.ge [sflag:s8], $0x8000  }
0x60: {  	[sflag:s8] =	ssyncset.done $0x0  }
0x61: {  	[sflag:s8] =	ssyncadd.s32 $0xFFFF8000  }
0x62: {  	[tilespmem:s2], [sflag:$0x1] =	stream.linear.gather [hbm4b:s15+s2], $0x8000, $0x38;
	[tilespmem:$0x10000] =	vst v63  }
0x63: {  	_ =	swait.ge [sflag:s10], $0x8000  }
0x64: {  	[sflag:s10] =	ssyncset.done $0x0  }
0x65: {  	[sflag:s10] =	ssyncadd.s32 $0xFFFF8000  }
0x66: {  	[hbm4b:s16+s2] =	stream.linear.scatter [tilespmem:s5], [sflag:$0x4], $0x8000, $0x38;
	[tilespmem:$0x10000] =	vst v63  }
0x67: {  	_ =	swait.ge [sflag:s11], $0x8000  }
0x68: {  	[sflag:s11] =	ssyncset.done $0x0  }
0x69: {  	[sflag:s11] =	ssyncadd.s32 $0xFFFF8000  }
0x6a: {  	[tilespmem:s5], [sflag:$0x2] =	stream.linear.gather [hbm4b:s17+s2], $0x8000, $0x38;
	[tilespmem:$0x10000] =	vst v63  }
0x6b: {  	_ =	swait.ge [sflag:s6], $0x8000  }
0x6c: {  	[sflag:s6] =	ssyncset.done $0x0  }
0x6d: {  	[sflag:s6] =	ssyncadd.s32 $0xFFFF8000  }
0x6e: {  	[hbm4b:s18+s2] =	stream.linear.scatter [tilespmem:s2], [sflag:$0x3], $0x8000, $0x38;
	[tilespmem:$0x10000] =	vst v63  }
0x6f: {  	_ =	swait.ge [sflag:s8], $0x8000  }
0x70: {  	[sflag:s8] =	ssyncset.done $0x0  }
0x71: {  	[sflag:s8] =	ssyncadd.s32 $0xFFFF8000  }
0x72: {  	[tilespmem:s2], [sflag:$0x1] =	stream.linear.gather [hbm4b:s19+s2], $0x8000, $0x38;
	[tilespmem:$0x10000] =	vst v63  }
0x73: {  	_ =	swait.ge [sflag:s10], $0x8000  }
0x74: {  	[sflag:s10] =	ssyncset.done $0x0  }
0x75: {  	[sflag:s10] =	ssyncadd.s32 $0xFFFF8000  }
0x76: {  	[hbm4b:s20+s2] =	stream.linear.scatter [tilespmem:s5], [sflag:$0x4], $0x8000, $0x38;
	[tilespmem:$0x10000] =	vst v63  }
0x77: {  	_ =	swait.ge [sflag:s11], $0x8000  }
0x78: {  	[sflag:s11] =	ssyncset.done $0x0  }
0x79: {  	[sflag:s11] =	ssyncadd.s32 $0xFFFF8000  }
0x7a: {  	[tilespmem:s5], [sflag:$0x2] =	stream.linear.gather [hbm4b:s21+s2], $0x8000, $0x38;
	[tilespmem:$0x10000] =	vst v63  }
0x7b: {  	_ =	swait.ge [sflag:s6], $0x8000  }
0x7c: {  	[sflag:s6] =	ssyncset.done $0x0  }
0x7d: {  	[sflag:s6] =	ssyncadd.s32 $0xFFFF8000  }
0x7e: {  	[hbm4b:s22+s2] =	stream.linear.scatter [tilespmem:s2], [sflag:$0x3], $0x8000, $0x38;
	[tilespmem:$0x10000] =	vst v63  }
0x7f: {  	_ =	swait.ge [sflag:s8], $0x8000  }
0x80: {  	[sflag:s8] =	ssyncset.done $0x0  }
0x81: {  	[sflag:s8] =	ssyncadd.s32 $0xFFFF8000  }
0x82: {  	_ =	swait.ge [sflag:s10], $0x8000  }
.Ltmp1:
0x83: {  	[sflag:s10] =	ssyncset.done $0x0;
	(pc) =	sbr.rel @p0 .LBB2_1-.Ltmp1, $4  }
0x84: {  	[sflag:s10] =	ssyncadd.s32 $0xFFFF8000  }
0x85: {  	[hbm4b:s23+s2] =	stream.linear.scatter [tilespmem:s5], [sflag:$0x4], $0x8000, $0x38;
	[tilespmem:$0x10000] =	vst v63  }
0x86: {  	_ =	swait.ge [sflag:s11], $0x8000  }
0x87: {  	[sflag:s11] =	ssyncset.done $0x0  }
.LBB2_2:
0x88: {  	[sflag:s11] =	ssyncadd.s32 $0xFFFF8000  }
0x89: {  	_ =	sfence.sel $0x180000  }
0x8a: {  	[bflag:$0x0] =	sbarrier.arrive $0xFFFF  }
0x8b: {  	p0 =	sne.s32 s1, $0x0;
	_ =	strace $0x90000047  }
0x8c: {  	s0 =	sadd.s32 @!p0 $0x100000, s0;
	[bflag:$0x2] =	sbarrier.arrive $0xFFFF  }
0x8d: {  	[sflag:s0] =	ssyncadd.tile.s32 @!p0 $0x1;
	_ =	shalt  }
.Lfunc_end2:
_tile_overlayer_lowered:
.L_overlay_start_2:
0x8e: {  	(tag) =	ssettag $0x2  }
0x8f: {  	s0 =	rddreg [dreg:$0x0];
	s2 =	stileid.u32  }
0x90: {  	s1 =	rddreg [dreg:$0x1];
	p0 =	sne.s32 s2, $0x0  }
0x91: {  	s3 =	rddreg [dreg:$0x2];
	[bflag:$0x3] =	sbarrier.arrive $0xFFFF;
	s2 =	simm.s32 @!p0 $0x1C05  }
0x92: {  	[timem:s3], [sflag:s2] =	dma.local @!p0 [hbm:s0], s1  }
0x93: {  	s0 =	simm.s32 @!p0 $0x5  }
0x94: {  	_ =	swait.ge @!p0 [sflag:s0], s1  }
0x95: {  	s1 =	ssub.s32 @!p0 $0x0, s1;
	[sflag:s0] =	ssyncset.done @!p0 $0x0  }
0x96: {  	[sflag:s0] =	ssyncadd.s32 @!p0 s1  }
0x97: {  	[bflag:$0x3] =	sbarrier.arrive $0xFFFF  }
0x98: {  	_ =	shalt  }

</sc_bundles>
